<compile_context>
chip_gen: v7x
topology: tpu7x:2x2x1
jax: 0.10.2.dev20260603
libtpu: 0.0.44.dev20260713+nightly
codegen_flags: <defaults>
</compile_context>

<pallas_src>
import functools

import jax
import jax.numpy as jnp
from jax import lax
from jax.experimental import pallas as pl
from jax.experimental.pallas import tpu as pltpu
from jax.experimental.pallas import tpu_sc as plsc

N = 10000
E = 320000
D = 128
R = 7
OUT = 128

NCORE = 2
NSUB = 16
NW = NCORE * NSUB
CH = 128

ROWS_PER_SUB = -(-(N + 1) // (8 * NSUB)) * 8
N_PAD = ROWS_PER_SUB * NSUB
G = 8
CHUNKS_PER_W = -(-(E // (NW * CH) + 1) // G) * G
NGROUP = CHUNKS_PER_W // G
EDGES_PER_W = CHUNKS_PER_W * CH
E_PAD = EDGES_PER_W * NW


def _proj_body(x_ref, w_ref, out_ref):
    out_ref[0] = lax.dot_general(
        x_ref[...], w_ref[0],
        dimension_numbers=(((1,), (1,)), ((), ())),
        preferred_element_type=jnp.float32,
    )


def _combine_body(p_ref, s_ref, b_ref, out_ref):
    out_ref[...] = jnp.maximum(
        p_ref[0] + p_ref[1] + s_ref[0] + b_ref[...], 0.0)


def _sc_body(table_hbm, gidx_hbm, dst_hbm, zeros_hbm, out_hbm,
             gidx_v, dst_v, rows_v, acc, isem):
    cid = lax.axis_index("c")
    sid = lax.axis_index("s")
    wid = cid * NSUB + sid
    my_rows = pl.ds(sid * ROWS_PER_SUB, ROWS_PER_SUB)
    pltpu.sync_copy(zeros_hbm, acc.at[my_rows])
    plsc.subcore_barrier()

    def start_idx_group(grp, b):
        pltpu.async_copy(gidx_hbm.at[wid, grp], gidx_v.at[b], isem.at[b])
        pltpu.async_copy(dst_hbm.at[wid, grp], dst_v.at[b], isem.at[b])

    def wait_idx_group(b):
        pltpu.make_async_copy(
            gidx_hbm.at[0, 0], gidx_v.at[b], isem.at[b]).wait()
        pltpu.make_async_copy(
            dst_hbm.at[0, 0], dst_v.at[b], isem.at[b]).wait()

    start_idx_group(0, 0)
    start_idx_group(1, 1)

    @pl.loop(0, NGROUP, step=2)
    def _(j):
        for p in range(2):
            g = j + p
            wait_idx_group(p)
            for k in range(G):
                pltpu.sync_copy(table_hbm.at[gidx_v.at[p, k]], rows_v)
                pltpu.sync_copy(rows_v, acc.at[dst_v.at[p, k]], add=True)

            @pl.when(g + 2 < NGROUP)
            def _():
                start_idx_group(g + 2, p)

    plsc.subcore_barrier()
    pltpu.sync_copy(acc.at[my_rows], out_hbm.at[cid, my_rows])


@jax.jit
def _run(x, W_all, gidx, dst, bias):
    x_pad = jnp.zeros((N_PAD, D), jnp.float32).at[:N].set(x)

    xw = pl.pallas_call(
        _proj_body,
        grid=(R + 1,),
        in_specs=[
            pl.BlockSpec((N_PAD, D), lambda r: (0, 0)),
            pl.BlockSpec((1, OUT, D), lambda r: (r, 0, 0)),
        ],
        out_specs=pl.BlockSpec((1, N_PAD, OUT), lambda r: (r, 0, 0)),
        out_shape=jax.ShapeDtypeStruct((R + 1, N_PAD, OUT), jnp.float32),
    )(x_pad, W_all)

    table = xw.reshape((R + 1) * N_PAD, OUT)
    zeros_src = jnp.zeros((ROWS_PER_SUB, OUT), jnp.float32)

    mesh = plsc.VectorSubcoreMesh(core_axis_name="c", subcore_axis_name="s")
    partials = pl.kernel(
        _sc_body,
        out_type=jax.ShapeDtypeStruct((NCORE, N_PAD, OUT), jnp.float32),
        mesh=mesh,
        scratch_types=[
            pltpu.VMEM((2, G, CH), jnp.int32),
            pltpu.VMEM((2, G, CH), jnp.int32),
            pltpu.VMEM((CH, OUT), jnp.float32),
            pltpu.VMEM_SHARED((N_PAD, OUT), jnp.float32),
            pltpu.SemaphoreType.DMA((2,)),
        ],
    )(table, gidx.reshape(NW, NGROUP, G, CH),
      dst.reshape(NW, NGROUP, G, CH), zeros_src)

    out_pad = pl.pallas_call(
        _combine_body,
        grid=(1,),
        in_specs=[
            pl.BlockSpec((NCORE, N_PAD, OUT), lambda i: (0, 0, 0)),
            pl.BlockSpec((1, N_PAD, OUT), lambda i: (R, 0, 0)),
            pl.BlockSpec((1, OUT), lambda i: (0, 0)),
        ],
        out_specs=pl.BlockSpec((N_PAD, OUT), lambda i: (0, 0)),
        out_shape=jax.ShapeDtypeStruct((N_PAD, OUT), jnp.float32),
    )(partials, xw, bias)

    return out_pad[:N]


def kernel(x, edge_weight, W_lin, b_lin, W_self, b_self,
           node_in, node_out, relation):
    node_in = node_in.astype(jnp.int32)
    node_out = node_out.astype(jnp.int32)
    relation = relation.astype(jnp.int32)

    W_all = jnp.concatenate(
        [W_lin.reshape(OUT, R, D).transpose(1, 0, 2), W_self[None]], axis=0)

    gidx = relation * N_PAD + node_in
    pad = E_PAD - E
    gidx = jnp.concatenate([gidx, jnp.zeros((pad,), jnp.int32)])
    dst = jnp.concatenate([node_out, jnp.full((pad,), N, jnp.int32)])

    bias = (b_lin + b_self).reshape(1, OUT)
    return _run(x, W_all, gidx, dst, bias)

# --- scband reference (transcript-rebuilt; emitter-appended) ---
"""Pipeline reference for scband-rewire-gearnet-14800457302375 (READ-ONLY COPY).

The authoritative reference and input builder live on the scoring server;
editing this copy changes nothing except your own understanding.
"""

import jax, jax.numpy as jnp
import numpy as np

N = 10000
E = 320000
D = 128
R = 7
OUT = 128

def setup_inputs(seed: int = 0) -> dict:
    key = jax.random.key(seed)
    ks = jax.random.split(key, 8)
    x = jax.random.normal(ks[0], (N, D), dtype=jnp.float32)
    node_in = jax.random.randint(ks[1], (E,), 0, N, dtype=jnp.int64) if jax.config.jax_enable_x64 else jax.random.randint(ks[1], (E,), 0, N).astype(jnp.int32)
    node_out = jax.random.randint(ks[2], (E,), 0, N).astype(node_in.dtype)
    relation = jax.random.randint(ks[3], (E,), 0, R).astype(node_in.dtype)
    edge_weight = jnp.ones((E,), dtype=jnp.float32)
    W_lin = jax.random.normal(ks[4], (OUT, R * D), dtype=jnp.float32) * (1.0 / np.sqrt(R * D))
    b_lin = jnp.zeros((OUT,), dtype=jnp.float32)
    W_self = jax.random.normal(ks[5], (OUT, D), dtype=jnp.float32) * (1.0 / np.sqrt(D))
    b_self = jnp.zeros((OUT,), dtype=jnp.float32)
    return {"x": x, "edge_weight": edge_weight, "W_lin": W_lin, "b_lin": b_lin,
            "W_self": W_self, "b_self": b_self,
            "node_in": node_in, "node_out": node_out, "relation": relation}

def reference(x, edge_weight, W_lin, b_lin, W_self, b_self, node_in, node_out, relation):
    # message_and_aggregate (new_edge_list=None path):
    # adjacency = sparse[(node_in, node_out*R+rel)] with edge_weight; update = A^T @ x
    dst = node_out * R + relation
    msgs = jnp.take(x, node_in, axis=0) * edge_weight[:, None]
    update = jnp.zeros((N * R, D), dtype=x.dtype).at[dst].add(msgs)
    update = update.reshape(N, R * D)
    # combine: linear(update) + self_loop(x), then relu (no batch_norm)
    out = update @ W_lin.T + b_lin + x @ W_self.T + b_self
    return jax.nn.relu(out)

if __name__ == "__main__":
    import jax
    _d = setup_inputs()
    print(jax.jit(kernel)(*tuple(_d.values())))

</pallas_src>

<mosaic_0001>
#map = affine_map<(d0, d1) -> (0, 0)>
#map1 = affine_map<(d0, d1) -> (0, 0, 0, 0)>
#map2 = affine_map<(d0, d1) -> (0, 0, 0)>
module attributes {stable_mosaic.version = 14 : i64} {
  func.func @_sc_body(%arg0: i32, %arg1: i32, %arg2: memref<80896x128xf32, #tpu.memory_space<hbm>>, %arg3: memref<32x10x8x128xi32, #tpu.memory_space<hbm>>, %arg4: memref<32x10x8x128xi32, #tpu.memory_space<hbm>>, %arg5: memref<632x128xf32, #tpu.memory_space<hbm>>, %arg6: memref<2x10112x128xf32, #tpu.memory_space<hbm>>, %arg7: memref<2x8x128xi32, #tpu.memory_space<vmem>>, %arg8: memref<2x8x128xi32, #tpu.memory_space<vmem>>, %arg9: memref<128x128xf32, #tpu.memory_space<vmem>>, %arg10: memref<10112x128xf32, #tpu.memory_space<vmem_shared>>, %arg11: memref<2x!tpu.dma_semaphore, #tpu.memory_space<semaphore_mem>>) attributes {dimension_semantics = [#tpu.dimension_semantics<core_parallel>, #tpu.dimension_semantics<subcore_parallel>], iteration_bounds = array<i64: 2, 16>, scalar_prefetch = 0 : i64, scratch_operands = 5 : i64, tpu.core_type = #tpu.core_type<sc_vector_subcore>, window_params = [{transform_indices = #map}, {transform_indices = #map1}, {transform_indices = #map1}, {transform_indices = #map}, {transform_indices = #map2}]} {
    %mul3A = arith.constant 16 : i32
    %mul3A_0 = arith.muli %arg0, %mul3A : i32
    %add3A = arith.addi %mul3A_0, %arg1 : i32
    %mul3A_1 = arith.constant 632 : i32
    %mul3A_2 = arith.muli %arg1, %mul3A_1 : i32
    "tpu.region"() ({
      %run_scoped3A = tpu.sem_alloc : memref<!tpu.dma_semaphore, #tpu.memory_space<semaphore_mem>>
      %dma_start3A_91 = arith.constant 0 : i32
      %dma_start3A_92 = tpu.memref_slice %arg10[%mul3A_2, %dma_start3A_91] : memref<10112x128xf32, #tpu.memory_space<vmem_shared>> -> memref<632x128xf32, #tpu.memory_space<vmem_shared>>
      tpu.enqueue_dma source(%arg5 : memref<632x128xf32, #tpu.memory_space<hbm>>) target(%dma_start3A_92 : memref<632x128xf32, #tpu.memory_space<vmem_shared>>) target_semaphore(%run_scoped3A : memref<!tpu.dma_semaphore, #tpu.memory_space<semaphore_mem>>)
      %dma_wait3A = arith.constant 0 : i32
      %dma_wait3A_93 = tpu.memref_slice %arg10[%mul3A_2, %dma_wait3A] : memref<10112x128xf32, #tpu.memory_space<vmem_shared>> -> memref<632x128xf32, #tpu.memory_space<vmem_shared>>
      tpu.wait_dma2 semaphore(%run_scoped3A : memref<!tpu.dma_semaphore, #tpu.memory_space<semaphore_mem>>) src(%arg5 : memref<632x128xf32, #tpu.memory_space<hbm>>) dst(%dma_wait3A_93 : memref<632x128xf32, #tpu.memory_space<vmem_shared>>)
      tpu.yield
    }) : () -> ()
    %barrier3A = arith.constant 0 : index
    tpu.barrier barrier_id(%barrier3A)
    %dma_start3A = arith.constant 0 : i32
    %dma_start3A_3 = arith.constant 0 : i32
    %dma_start3A_4 = arith.constant 0 : i32
    %dma_start3A_5 = arith.constant 0 : i32
    %dma_start3A_6 = arith.constant 0 : i32
    %dma_start3A_7 = tpu.memref_slice %arg7[%dma_start3A_3, %dma_start3A_5, %dma_start3A_6] : memref<2x8x128xi32, #tpu.memory_space<vmem>> -> memref<1x8x128xi32, #tpu.memory_space<vmem>>
    %dma_start3A_8 = tpu.memref_squeeze %dma_start3A_7 : memref<1x8x128xi32, #tpu.memory_space<vmem>> -> memref<8x128xi32, #tpu.memory_space<vmem>>
    %dma_start3A_9 = arith.constant 0 : i32
    %dma_start3A_10 = arith.constant 0 : i32
    %dma_start3A_11 = tpu.memref_slice %arg3[%add3A, %dma_start3A, %dma_start3A_9, %dma_start3A_10] : memref<32x10x8x128xi32, #tpu.memory_space<hbm>> -> memref<1x1x8x128xi32, #tpu.memory_space<hbm>>
    %dma_start3A_12 = tpu.memref_squeeze %dma_start3A_11 : memref<1x1x8x128xi32, #tpu.memory_space<hbm>> -> memref<8x128xi32, #tpu.memory_space<hbm>>
    %dma_start3A_13 = tpu.memref_slice %arg11[%dma_start3A_4] : memref<2x!tpu.dma_semaphore, #tpu.memory_space<semaphore_mem>> -> memref<1x!tpu.dma_semaphore, #tpu.memory_space<semaphore_mem>>
    %dma_start3A_14 = tpu.memref_squeeze %dma_start3A_13 : memref<1x!tpu.dma_semaphore, #tpu.memory_space<semaphore_mem>> -> memref<!tpu.dma_semaphore, #tpu.memory_space<semaphore_mem>>
    %dma_start3A_15 = arith.constant 0 : i32
    %dma_start3A_16 = arith.constant 0 : i32
    %dma_start3A_17 = tpu.memref_slice %arg7[%dma_start3A_3, %dma_start3A_15, %dma_start3A_16] : memref<2x8x128xi32, #tpu.memory_space<vmem>> -> memref<1x8x128xi32, #tpu.memory_space<vmem>>
    %dma_start3A_18 = tpu.memref_squeeze %dma_start3A_17 : memref<1x8x128xi32, #tpu.memory_space<vmem>> -> memref<8x128xi32, #tpu.memory_space<vmem>>
    %dma_start3A_19 = arith.constant 0 : i32
    %dma_start3A_20 = arith.constant 0 : i32
    %dma_start3A_21 = tpu.memref_slice %arg3[%add3A, %dma_start3A, %dma_start3A_19, %dma_start3A_20] : memref<32x10x8x128xi32, #tpu.memory_space<hbm>> -> memref<1x1x8x128xi32, #tpu.memory_space<hbm>>
    %dma_start3A_22 = tpu.memref_squeeze %dma_start3A_21 : memref<1x1x8x128xi32, #tpu.memory_space<hbm>> -> memref<8x128xi32, #tpu.memory_space<hbm>>
    tpu.enqueue_dma source(%dma_start3A_22 : memref<8x128xi32, #tpu.memory_space<hbm>>) target(%dma_start3A_18 : memref<8x128xi32, #tpu.memory_space<vmem>>) target_semaphore(%dma_start3A_14 : memref<!tpu.dma_semaphore, #tpu.memory_space<semaphore_mem>>)
    %dma_start3A_23 = arith.constant 0 : i32
    %dma_start3A_24 = arith.constant 0 : i32
    %dma_start3A_25 = arith.constant 0 : i32
    %dma_start3A_26 = arith.constant 0 : i32
    %dma_start3A_27 = arith.constant 0 : i32
    %dma_start3A_28 = tpu.memref_slice %arg8[%dma_start3A_24, %dma_start3A_26, %dma_start3A_27] : memref<2x8x128xi32, #tpu.memory_space<vmem>> -> memref<1x8x128xi32, #tpu.memory_space<vmem>>
    %dma_start3A_29 = tpu.memref_squeeze %dma_start3A_28 : memref<1x8x128xi32, #tpu.memory_space<vmem>> -> memref<8x128xi32, #tpu.memory_space<vmem>>
    %dma_start3A_30 = arith.constant 0 : i32
    %dma_start3A_31 = arith.constant 0 : i32
    %dma_start3A_32 = tpu.memref_slice %arg4[%add3A, %dma_start3A_23, %dma_start3A_30, %dma_start3A_31] : memref<32x10x8x128xi32, #tpu.memory_space<hbm>> -> memref<1x1x8x128xi32, #tpu.memory_space<hbm>>
    %dma_start3A_33 = tpu.memref_squeeze %dma_start3A_32 : memref<1x1x8x128xi32, #tpu.memory_space<hbm>> -> memref<8x128xi32, #tpu.memory_space<hbm>>
    %dma_start3A_34 = tpu.memref_slice %arg11[%dma_start3A_25] : memref<2x!tpu.dma_semaphore, #tpu.memory_space<semaphore_mem>> -> memref<1x!tpu.dma_semaphore, #tpu.memory_space<semaphore_mem>>
    %dma_start3A_35 = tpu.memref_squeeze %dma_start3A_34 : memref<1x!tpu.dma_semaphore, #tpu.memory_space<semaphore_mem>> -> memref<!tpu.dma_semaphore, #tpu.memory_space<semaphore_mem>>
    %dma_start3A_36 = arith.constant 0 : i32
    %dma_start3A_37 = arith.constant 0 : i32
    %dma_start3A_38 = tpu.memref_slice %arg8[%dma_start3A_24, %dma_start3A_36, %dma_start3A_37] : memref<2x8x128xi32, #tpu.memory_space<vmem>> -> memref<1x8x128xi32, #tpu.memory_space<vmem>>
    %dma_start3A_39 = tpu.memref_squeeze %dma_start3A_38 : memref<1x8x128xi32, #tpu.memory_space<vmem>> -> memref<8x128xi32, #tpu.memory_space<vmem>>
    %dma_start3A_40 = arith.constant 0 : i32
    %dma_start3A_41 = arith.constant 0 : i32
    %dma_start3A_42 = tpu.memref_slice %arg4[%add3A, %dma_start3A_23, %dma_start3A_40, %dma_start3A_41] : memref<32x10x8x128xi32, #tpu.memory_space<hbm>> -> memref<1x1x8x128xi32, #tpu.memory_space<hbm>>
    %dma_start3A_43 = tpu.memref_squeeze %dma_start3A_42 : memref<1x1x8x128xi32, #tpu.memory_space<hbm>> -> memref<8x128xi32, #tpu.memory_space<hbm>>
    tpu.enqueue_dma source(%dma_start3A_43 : memref<8x128xi32, #tpu.memory_space<hbm>>) target(%dma_start3A_39 : memref<8x128xi32, #tpu.memory_space<vmem>>) target_semaphore(%dma_start3A_35 : memref<!tpu.dma_semaphore, #tpu.memory_space<semaphore_mem>>)
    %dma_start3A_44 = arith.constant 1 : i32
    %dma_start3A_45 = arith.constant 1 : i32
    %dma_start3A_46 = arith.constant 1 : i32
    %dma_start3A_47 = arith.constant 0 : i32
    %dma_start3A_48 = arith.constant 0 : i32
    %dma_start3A_49 = tpu.memref_slice %arg7[%dma_start3A_45, %dma_start3A_47, %dma_start3A_48] : memref<2x8x128xi32, #tpu.memory_space<vmem>> -> memref<1x8x128xi32, #tpu.memory_space<vmem>>
    %dma_start3A_50 = tpu.memref_squeeze %dma_start3A_49 : memref<1x8x128xi32, #tpu.memory_space<vmem>> -> memref<8x128xi32, #tpu.memory_space<vmem>>
    %dma_start3A_51 = arith.constant 0 : i32
    %dma_start3A_52 = arith.constant 0 : i32
    %dma_start3A_53 = tpu.memref_slice %arg3[%add3A, %dma_start3A_44, %dma_start3A_51, %dma_start3A_52] : memref<32x10x8x128xi32, #tpu.memory_space<hbm>> -> memref<1x1x8x128xi32, #tpu.memory_space<hbm>>
    %dma_start3A_54 = tpu.memref_squeeze %dma_start3A_53 : memref<1x1x8x128xi32, #tpu.memory_space<hbm>> -> memref<8x128xi32, #tpu.memory_space<hbm>>
    %dma_start3A_55 = tpu.memref_slice %arg11[%dma_start3A_46] : memref<2x!tpu.dma_semaphore, #tpu.memory_space<semaphore_mem>> -> memref<1x!tpu.dma_semaphore, #tpu.memory_space<semaphore_mem>>
    %dma_start3A_56 = tpu.memref_squeeze %dma_start3A_55 : memref<1x!tpu.dma_semaphore, #tpu.memory_space<semaphore_mem>> -> memref<!tpu.dma_semaphore, #tpu.memory_space<semaphore_mem>>
    %dma_start3A_57 = arith.constant 0 : i32
    %dma_start3A_58 = arith.constant 0 : i32
    %dma_start3A_59 = tpu.memref_slice %arg7[%dma_start3A_45, %dma_start3A_57, %dma_start3A_58] : memref<2x8x128xi32, #tpu.memory_space<vmem>> -> memref<1x8x128xi32, #tpu.memory_space<vmem>>
    %dma_start3A_60 = tpu.memref_squeeze %dma_start3A_59 : memref<1x8x128xi32, #tpu.memory_space<vmem>> -> memref<8x128xi32, #tpu.memory_space<vmem>>
    %dma_start3A_61 = arith.constant 0 : i32
    %dma_start3A_62 = arith.constant 0 : i32
    %dma_start3A_63 = tpu.memref_slice %arg3[%add3A, %dma_start3A_44, %dma_start3A_61, %dma_start3A_62] : memref<32x10x8x128xi32, #tpu.memory_space<hbm>> -> memref<1x1x8x128xi32, #tpu.memory_space<hbm>>
    %dma_start3A_64 = tpu.memref_squeeze %dma_start3A_63 : memref<1x1x8x128xi32, #tpu.memory_space<hbm>> -> memref<8x128xi32, #tpu.memory_space<hbm>>
    tpu.enqueue_dma source(%dma_start3A_64 : memref<8x128xi32, #tpu.memory_space<hbm>>) target(%dma_start3A_60 : memref<8x128xi32, #tpu.memory_space<vmem>>) target_semaphore(%dma_start3A_56 : memref<!tpu.dma_semaphore, #tpu.memory_space<semaphore_mem>>)
    %dma_start3A_65 = arith.constant 1 : i32
    %dma_start3A_66 = arith.constant 1 : i32
    %dma_start3A_67 = arith.constant 1 : i32
    %dma_start3A_68 = arith.constant 0 : i32
    %dma_start3A_69 = arith.constant 0 : i32
    %dma_start3A_70 = tpu.memref_slice %arg8[%dma_start3A_66, %dma_start3A_68, %dma_start3A_69] : memref<2x8x128xi32, #tpu.memory_space<vmem>> -> memref<1x8x128xi32, #tpu.memory_space<vmem>>
    %dma_start3A_71 = tpu.memref_squeeze %dma_start3A_70 : memref<1x8x128xi32, #tpu.memory_space<vmem>> -> memref<8x128xi32, #tpu.memory_space<vmem>>
    %dma_start3A_72 = arith.constant 0 : i32
    %dma_start3A_73 = arith.constant 0 : i32
    %dma_start3A_74 = tpu.memref_slice %arg4[%add3A, %dma_start3A_65, %dma_start3A_72, %dma_start3A_73] : memref<32x10x8x128xi32, #tpu.memory_space<hbm>> -> memref<1x1x8x128xi32, #tpu.memory_space<hbm>>
    %dma_start3A_75 = tpu.memref_squeeze %dma_start3A_74 : memref<1x1x8x128xi32, #tpu.memory_space<hbm>> -> memref<8x128xi32, #tpu.memory_space<hbm>>
    %dma_start3A_76 = tpu.memref_slice %arg11[%dma_start3A_67] : memref<2x!tpu.dma_semaphore, #tpu.memory_space<semaphore_mem>> -> memref<1x!tpu.dma_semaphore, #tpu.memory_space<semaphore_mem>>
    %dma_start3A_77 = tpu.memref_squeeze %dma_start3A_76 : memref<1x!tpu.dma_semaphore, #tpu.memory_space<semaphore_mem>> -> memref<!tpu.dma_semaphore, #tpu.memory_space<semaphore_mem>>
    %dma_start3A_78 = arith.constant 0 : i32
    %dma_start3A_79 = arith.constant 0 : i32
    %dma_start3A_80 = tpu.memref_slice %arg8[%dma_start3A_66, %dma_start3A_78, %dma_start3A_79] : memref<2x8x128xi32, #tpu.memory_space<vmem>> -> memref<1x8x128xi32, #tpu.memory_space<vmem>>
    %dma_start3A_81 = tpu.memref_squeeze %dma_start3A_80 : memref<1x8x128xi32, #tpu.memory_space<vmem>> -> memref<8x128xi32, #tpu.memory_space<vmem>>
    %dma_start3A_82 = arith.constant 0 : i32
    %dma_start3A_83 = arith.constant 0 : i32
    %dma_start3A_84 = tpu.memref_slice %arg4[%add3A, %dma_start3A_65, %dma_start3A_82, %dma_start3A_83] : memref<32x10x8x128xi32, #tpu.memory_space<hbm>> -> memref<1x1x8x128xi32, #tpu.memory_space<hbm>>
    %dma_start3A_85 = tpu.memref_squeeze %dma_start3A_84 : memref<1x1x8x128xi32, #tpu.memory_space<hbm>> -> memref<8x128xi32, #tpu.memory_space<hbm>>
    tpu.enqueue_dma source(%dma_start3A_85 : memref<8x128xi32, #tpu.memory_space<hbm>>) target(%dma_start3A_81 : memref<8x128xi32, #tpu.memory_space<vmem>>) target_semaphore(%dma_start3A_77 : memref<!tpu.dma_semaphore, #tpu.memory_space<semaphore_mem>>)
    %scan3A = arith.constant 0 : i32
    %scan3A_86 = arith.constant 5 : i32
    %scan3A_87 = arith.addi %scan3A, %scan3A_86 : i32
    %scan3A_88 = arith.constant 1 : i32
    scf.for %scan3A_91 = %scan3A to %scan3A_87 step %scan3A_88  : i32 {
      %mul3A_92 = arith.constant 2 : i32
      %mul3A_93 = arith.muli %scan3A_91, %mul3A_92 : i32
      %add3A_94 = arith.constant 0 : i32
      %add3A_95 = arith.addi %add3A_94, %mul3A_93 : i32
      %add3A_96 = arith.constant 0 : i32
      %add3A_97 = arith.addi %add3A_95, %add3A_96 : i32
      %dma_wait3A = arith.constant 0 : i32
      %dma_wait3A_98 = arith.constant 0 : i32
      %dma_wait3A_99 = arith.constant 0 : i32
      %dma_wait3A_100 = arith.constant 0 : i32
      %dma_wait3A_101 = arith.constant 0 : i32
      %dma_wait3A_102 = arith.constant 0 : i32
      %dma_wait3A_103 = tpu.memref_slice %arg7[%dma_wait3A_99, %dma_wait3A_101, %dma_wait3A_102] : memref<2x8x128xi32, #tpu.memory_space<vmem>> -> memref<1x8x128xi32, #tpu.memory_space<vmem>>
      %dma_wait3A_104 = tpu.memref_squeeze %dma_wait3A_103 : memref<1x8x128xi32, #tpu.memory_space<vmem>> -> memref<8x128xi32, #tpu.memory_space<vmem>>
      %dma_wait3A_105 = arith.constant 0 : i32
      %dma_wait3A_106 = arith.constant 0 : i32
      %dma_wait3A_107 = tpu.memref_slice %arg3[%dma_wait3A, %dma_wait3A_98, %dma_wait3A_105, %dma_wait3A_106] : memref<32x10x8x128xi32, #tpu.memory_space<hbm>> -> memref<1x1x8x128xi32, #tpu.memory_space<hbm>>
      %dma_wait3A_108 = tpu.memref_squeeze %dma_wait3A_107 : memref<1x1x8x128xi32, #tpu.memory_space<hbm>> -> memref<8x128xi32, #tpu.memory_space<hbm>>
      %dma_wait3A_109 = tpu.memref_slice %arg11[%dma_wait3A_100] : memref<2x!tpu.dma_semaphore, #tpu.memory_space<semaphore_mem>> -> memref<1x!tpu.dma_semaphore, #tpu.memory_space<semaphore_mem>>
      %dma_wait3A_110 = tpu.memref_squeeze %dma_wait3A_109 : memref<1x!tpu.dma_semaphore, #tpu.memory_space<semaphore_mem>> -> memref<!tpu.dma_semaphore, #tpu.memory_space<semaphore_mem>>
      %dma_wait3A_111 = arith.constant 0 : i32
      %dma_wait3A_112 = arith.constant 0 : i32
      %dma_wait3A_113 = tpu.memref_slice %arg7[%dma_wait3A_99, %dma_wait3A_111, %dma_wait3A_112] : memref<2x8x128xi32, #tpu.memory_space<vmem>> -> memref<1x8x128xi32, #tpu.memory_space<vmem>>
      %dma_wait3A_114 = tpu.memref_squeeze %dma_wait3A_113 : memref<1x8x128xi32, #tpu.memory_space<vmem>> -> memref<8x128xi32, #tpu.memory_space<vmem>>
      %dma_wait3A_115 = arith.constant 0 : i32
      %dma_wait3A_116 = arith.constant 0 : i32
      %dma_wait3A_117 = tpu.memref_slice %arg3[%dma_wait3A, %dma_wait3A_98, %dma_wait3A_115, %dma_wait3A_116] : memref<32x10x8x128xi32, #tpu.memory_space<hbm>> -> memref<1x1x8x128xi32, #tpu.memory_space<hbm>>
      %dma_wait3A_118 = tpu.memref_squeeze %dma_wait3A_117 : memref<1x1x8x128xi32, #tpu.memory_space<hbm>> -> memref<8x128xi32, #tpu.memory_space<hbm>>
      tpu.wait_dma2 semaphore(%dma_wait3A_110 : memref<!tpu.dma_semaphore, #tpu.memory_space<semaphore_mem>>) src(%dma_wait3A_118 : memref<8x128xi32, #tpu.memory_space<hbm>>) dst(%dma_wait3A_114 : memref<8x128xi32, #tpu.memory_space<vmem>>)
      %dma_wait3A_119 = arith.constant 0 : i32
      %dma_wait3A_120 = arith.constant 0 : i32
      %dma_wait3A_121 = arith.constant 0 : i32
      %dma_wait3A_122 = arith.constant 0 : i32
      %dma_wait3A_123 = arith.constant 0 : i32
      %dma_wait3A_124 = arith.constant 0 : i32
      %dma_wait3A_125 = tpu.memref_slice %arg8[%dma_wait3A_121, %dma_wait3A_123, %dma_wait3A_124] : memref<2x8x128xi32, #tpu.memory_space<vmem>> -> memref<1x8x128xi32, #tpu.memory_space<vmem>>
      %dma_wait3A_126 = tpu.memref_squeeze %dma_wait3A_125 : memref<1x8x128xi32, #tpu.memory_space<vmem>> -> memref<8x128xi32, #tpu.memory_space<vmem>>
      %dma_wait3A_127 = arith.constant 0 : i32
      %dma_wait3A_128 = arith.constant 0 : i32
      %dma_wait3A_129 = tpu.memref_slice %arg4[%dma_wait3A_119, %dma_wait3A_120, %dma_wait3A_127, %dma_wait3A_128] : memref<32x10x8x128xi32, #tpu.memory_space<hbm>> -> memref<1x1x8x128xi32, #tpu.memory_space<hbm>>
      %dma_wait3A_130 = tpu.memref_squeeze %dma_wait3A_129 : memref<1x1x8x128xi32, #tpu.memory_space<hbm>> -> memref<8x128xi32, #tpu.memory_space<hbm>>
      %dma_wait3A_131 = tpu.memref_slice %arg11[%dma_wait3A_122] : memref<2x!tpu.dma_semaphore, #tpu.memory_space<semaphore_mem>> -> memref<1x!tpu.dma_semaphore, #tpu.memory_space<semaphore_mem>>
      %dma_wait3A_132 = tpu.memref_squeeze %dma_wait3A_131 : memref<1x!tpu.dma_semaphore, #tpu.memory_space<semaphore_mem>> -> memref<!tpu.dma_semaphore, #tpu.memory_space<semaphore_mem>>
      %dma_wait3A_133 = arith.constant 0 : i32
      %dma_wait3A_134 = arith.constant 0 : i32
      %dma_wait3A_135 = tpu.memref_slice %arg8[%dma_wait3A_121, %dma_wait3A_133, %dma_wait3A_134] : memref<2x8x128xi32, #tpu.memory_space<vmem>> -> memref<1x8x128xi32, #tpu.memory_space<vmem>>
      %dma_wait3A_136 = tpu.memref_squeeze %dma_wait3A_135 : memref<1x8x128xi32, #tpu.memory_space<vmem>> -> memref<8x128xi32, #tpu.memory_space<vmem>>
      %dma_wait3A_137 = arith.constant 0 : i32
      %dma_wait3A_138 = arith.constant 0 : i32
      %dma_wait3A_139 = tpu.memref_slice %arg4[%dma_wait3A_119, %dma_wait3A_120, %dma_wait3A_137, %dma_wait3A_138] : memref<32x10x8x128xi32, #tpu.memory_space<hbm>> -> memref<1x1x8x128xi32, #tpu.memory_space<hbm>>
      %dma_wait3A_140 = tpu.memref_squeeze %dma_wait3A_139 : memref<1x1x8x128xi32, #tpu.memory_space<hbm>> -> memref<8x128xi32, #tpu.memory_space<hbm>>
      tpu.wait_dma2 semaphore(%dma_wait3A_132 : memref<!tpu.dma_semaphore, #tpu.memory_space<semaphore_mem>>) src(%dma_wait3A_140 : memref<8x128xi32, #tpu.memory_space<hbm>>) dst(%dma_wait3A_136 : memref<8x128xi32, #tpu.memory_space<vmem>>)
      %run_scoped3A = arith.constant 0 : i32
      %run_scoped3A_141 = arith.constant 0 : i32
      "tpu.region"() ({
        %run_scoped3A_261 = tpu.sem_alloc : memref<!tpu.dma_semaphore, #tpu.memory_space<semaphore_mem>>
        %dma_start3A_262 = arith.constant 0 : i32
        %dma_start3A_263 = tpu.memref_slice %arg7[%run_scoped3A, %run_scoped3A_141, %dma_start3A_262] : memref<2x8x128xi32, #tpu.memory_space<vmem>> -> memref<1x1x128xi32, #tpu.memory_space<vmem>>
        %dma_start3A_264 = tpu.memref_squeeze %dma_start3A_263 : memref<1x1x128xi32, #tpu.memory_space<vmem>> -> memref<128xi32, #tpu.memory_space<vmem>>
        %dma_start3A_265 = arith.constant 0 : i32
        %dma_start3A_266 = arith.constant 0 : i32
        %dma_start3A_267 = tpu.memref_slice %arg2[%dma_start3A_265, %dma_start3A_266] : memref<80896x128xf32, #tpu.memory_space<hbm>> -> memref<80896x128xf32, #tpu.memory_space<hbm>>
        tpu.enqueue_indirect_dma source(%dma_start3A_267 : memref<80896x128xf32, #tpu.memory_space<hbm>>) target(%arg9 : memref<128x128xf32, #tpu.memory_space<vmem>>) offsets(%dma_start3A_264 : memref<128xi32, #tpu.memory_space<vmem>>) semaphore(%run_scoped3A_261 : memref<!tpu.dma_semaphore, #tpu.memory_space<semaphore_mem>>)
        %dma_wait3A_268 = arith.constant 0 : i32
        %dma_wait3A_269 = tpu.memref_slice %arg7[%run_scoped3A, %run_scoped3A_141, %dma_wait3A_268] : memref<2x8x128xi32, #tpu.memory_space<vmem>> -> memref<1x1x128xi32, #tpu.memory_space<vmem>>
        %dma_wait3A_270 = tpu.memref_squeeze %dma_wait3A_269 : memref<1x1x128xi32, #tpu.memory_space<vmem>> -> memref<128xi32, #tpu.memory_space<vmem>>
        %dma_wait3A_271 = arith.constant 0 : i32
        %dma_wait3A_272 = arith.constant 0 : i32
        %dma_wait3A_273 = tpu.memref_slice %arg2[%dma_wait3A_271, %dma_wait3A_272] : memref<80896x128xf32, #tpu.memory_space<hbm>> -> memref<80896x128xf32, #tpu.memory_space<hbm>>
        tpu.wait_indirect_dma semaphore(%run_scoped3A_261 : memref<!tpu.dma_semaphore, #tpu.memory_space<semaphore_mem>>) src(%dma_wait3A_273 : memref<80896x128xf32, #tpu.memory_space<hbm>>) dst(%arg9 : memref<128x128xf32, #tpu.memory_space<vmem>>)
        tpu.yield
      }) : () -> ()
      %run_scoped3A_142 = arith.constant 0 : i32
      %run_scoped3A_143 = arith.constant 0 : i32
      "tpu.region"() ({
        %run_scoped3A_261 = tpu.sem_alloc : memref<!tpu.dma_semaphore, #tpu.memory_space<semaphore_mem>>
        %dma_start3A_262 = arith.constant 0 : i32
        %dma_start3A_263 = tpu.memref_slice %arg8[%run_scoped3A_142, %run_scoped3A_143, %dma_start3A_262] : memref<2x8x128xi32, #tpu.memory_space<vmem>> -> memref<1x1x128xi32, #tpu.memory_space<vmem>>
        %dma_start3A_264 = tpu.memref_squeeze %dma_start3A_263 : memref<1x1x128xi32, #tpu.memory_space<vmem>> -> memref<128xi32, #tpu.memory_space<vmem>>
        %dma_start3A_265 = arith.constant 0 : i32
        %dma_start3A_266 = arith.constant 0 : i32
        %dma_start3A_267 = tpu.memref_slice %arg10[%dma_start3A_265, %dma_start3A_266] : memref<10112x128xf32, #tpu.memory_space<vmem_shared>> -> memref<10112x128xf32, #tpu.memory_space<vmem_shared>>
        tpu.enqueue_indirect_dma source(%arg9 : memref<128x128xf32, #tpu.memory_space<vmem>>) target(%dma_start3A_267 : memref<10112x128xf32, #tpu.memory_space<vmem_shared>>) offsets(%dma_start3A_264 : memref<128xi32, #tpu.memory_space<vmem>>) semaphore(%run_scoped3A_261 : memref<!tpu.dma_semaphore, #tpu.memory_space<semaphore_mem>>) {add = true}
        %dma_wait3A_268 = arith.constant 0 : i32
        %dma_wait3A_269 = tpu.memref_slice %arg8[%run_scoped3A_142, %run_scoped3A_143, %dma_wait3A_268] : memref<2x8x128xi32, #tpu.memory_space<vmem>> -> memref<1x1x128xi32, #tpu.memory_space<vmem>>
        %dma_wait3A_270 = tpu.memref_squeeze %dma_wait3A_269 : memref<1x1x128xi32, #tpu.memory_space<vmem>> -> memref<128xi32, #tpu.memory_space<vmem>>
        %dma_wait3A_271 = arith.constant 0 : i32
        %dma_wait3A_272 = arith.constant 0 : i32
        %dma_wait3A_273 = tpu.memref_slice %arg10[%dma_wait3A_271, %dma_wait3A_272] : memref<10112x128xf32, #tpu.memory_space<vmem_shared>> -> memref<10112x128xf32, #tpu.memory_space<vmem_shared>>
        tpu.wait_indirect_dma semaphore(%run_scoped3A_261 : memref<!tpu.dma_semaphore, #tpu.memory_space<semaphore_mem>>) src(%arg9 : memref<128x128xf32, #tpu.memory_space<vmem>>) dst(%dma_wait3A_273 : memref<10112x128xf32, #tpu.memory_space<vmem_shared>>)
        tpu.yield
      }) : () -> ()
      %run_scoped3A_144 = arith.constant 0 : i32
      %run_scoped3A_145 = arith.constant 1 : i32
      "tpu.region"() ({
        %run_scoped3A_261 = tpu.sem_alloc : memref<!tpu.dma_semaphore, #tpu.memory_space<semaphore_mem>>
        %dma_start3A_262 = arith.constant 0 : i32
        %dma_start3A_263 = tpu.memref_slice %arg7[%run_scoped3A_144, %run_scoped3A_145, %dma_start3A_262] : memref<2x8x128xi32, #tpu.memory_space<vmem>> -> memref<1x1x128xi32, #tpu.memory_space<vmem>>
        %dma_start3A_264 = tpu.memref_squeeze %dma_start3A_263 : memref<1x1x128xi32, #tpu.memory_space<vmem>> -> memref<128xi32, #tpu.memory_space<vmem>>
        %dma_start3A_265 = arith.constant 0 : i32
        %dma_start3A_266 = arith.constant 0 : i32
        %dma_start3A_267 = tpu.memref_slice %arg2[%dma_start3A_265, %dma_start3A_266] : memref<80896x128xf32, #tpu.memory_space<hbm>> -> memref<80896x128xf32, #tpu.memory_space<hbm>>
        tpu.enqueue_indirect_dma source(%dma_start3A_267 : memref<80896x128xf32, #tpu.memory_space<hbm>>) target(%arg9 : memref<128x128xf32, #tpu.memory_space<vmem>>) offsets(%dma_start3A_264 : memref<128xi32, #tpu.memory_space<vmem>>) semaphore(%run_scoped3A_261 : memref<!tpu.dma_semaphore, #tpu.memory_space<semaphore_mem>>)
        %dma_wait3A_268 = arith.constant 0 : i32
        %dma_wait3A_269 = tpu.memref_slice %arg7[%run_scoped3A_144, %run_scoped3A_145, %dma_wait3A_268] : memref<2x8x128xi32, #tpu.memory_space<vmem>> -> memref<1x1x128xi32, #tpu.memory_space<vmem>>
        %dma_wait3A_270 = tpu.memref_squeeze %dma_wait3A_269 : memref<1x1x128xi32, #tpu.memory_space<vmem>> -> memref<128xi32, #tpu.memory_space<vmem>>
        %dma_wait3A_271 = arith.constant 0 : i32
        %dma_wait3A_272 = arith.constant 0 : i32
        %dma_wait3A_273 = tpu.memref_slice %arg2[%dma_wait3A_271, %dma_wait3A_272] : memref<80896x128xf32, #tpu.memory_space<hbm>> -> memref<80896x128xf32, #tpu.memory_space<hbm>>
        tpu.wait_indirect_dma semaphore(%run_scoped3A_261 : memref<!tpu.dma_semaphore, #tpu.memory_space<semaphore_mem>>) src(%dma_wait3A_273 : memref<80896x128xf32, #tpu.memory_space<hbm>>) dst(%arg9 : memref<128x128xf32, #tpu.memory_space<vmem>>)
        tpu.yield
      }) : () -> ()
      %run_scoped3A_146 = arith.constant 0 : i32
      %run_scoped3A_147 = arith.constant 1 : i32
      "tpu.region"() ({
        %run_scoped3A_261 = tpu.sem_alloc : memref<!tpu.dma_semaphore, #tpu.memory_space<semaphore_mem>>
        %dma_start3A_262 = arith.constant 0 : i32
        %dma_start3A_263 = tpu.memref_slice %arg8[%run_scoped3A_146, %run_scoped3A_147, %dma_start3A_262] : memref<2x8x128xi32, #tpu.memory_space<vmem>> -> memref<1x1x128xi32, #tpu.memory_space<vmem>>
        %dma_start3A_264 = tpu.memref_squeeze %dma_start3A_263 : memref<1x1x128xi32, #tpu.memory_space<vmem>> -> memref<128xi32, #tpu.memory_space<vmem>>
        %dma_start3A_265 = arith.constant 0 : i32
        %dma_start3A_266 = arith.constant 0 : i32
        %dma_start3A_267 = tpu.memref_slice %arg10[%dma_start3A_265, %dma_start3A_266] : memref<10112x128xf32, #tpu.memory_space<vmem_shared>> -> memref<10112x128xf32, #tpu.memory_space<vmem_shared>>
        tpu.enqueue_indirect_dma source(%arg9 : memref<128x128xf32, #tpu.memory_space<vmem>>) target(%dma_start3A_267 : memref<10112x128xf32, #tpu.memory_space<vmem_shared>>) offsets(%dma_start3A_264 : memref<128xi32, #tpu.memory_space<vmem>>) semaphore(%run_scoped3A_261 : memref<!tpu.dma_semaphore, #tpu.memory_space<semaphore_mem>>) {add = true}
        %dma_wait3A_268 = arith.constant 0 : i32
        %dma_wait3A_269 = tpu.memref_slice %arg8[%run_scoped3A_146, %run_scoped3A_147, %dma_wait3A_268] : memref<2x8x128xi32, #tpu.memory_space<vmem>> -> memref<1x1x128xi32, #tpu.memory_space<vmem>>
        %dma_wait3A_270 = tpu.memref_squeeze %dma_wait3A_269 : memref<1x1x128xi32, #tpu.memory_space<vmem>> -> memref<128xi32, #tpu.memory_space<vmem>>
        %dma_wait3A_271 = arith.constant 0 : i32
        %dma_wait3A_272 = arith.constant 0 : i32
        %dma_wait3A_273 = tpu.memref_slice %arg10[%dma_wait3A_271, %dma_wait3A_272] : memref<10112x128xf32, #tpu.memory_space<vmem_shared>> -> memref<10112x128xf32, #tpu.memory_space<vmem_shared>>
        tpu.wait_indirect_dma semaphore(%run_scoped3A_261 : memref<!tpu.dma_semaphore, #tpu.memory_space<semaphore_mem>>) src(%arg9 : memref<128x128xf32, #tpu.memory_space<vmem>>) dst(%dma_wait3A_273 : memref<10112x128xf32, #tpu.memory_space<vmem_shared>>)
        tpu.yield
      }) : () -> ()
      %run_scoped3A_148 = arith.constant 0 : i32
      %run_scoped3A_149 = arith.constant 2 : i32
      "tpu.region"() ({
        %run_scoped3A_261 = tpu.sem_alloc : memref<!tpu.dma_semaphore, #tpu.memory_space<semaphore_mem>>
        %dma_start3A_262 = arith.constant 0 : i32
        %dma_start3A_263 = tpu.memref_slice %arg7[%run_scoped3A_148, %run_scoped3A_149, %dma_start3A_262] : memref<2x8x128xi32, #tpu.memory_space<vmem>> -> memref<1x1x128xi32, #tpu.memory_space<vmem>>
        %dma_start3A_264 = tpu.memref_squeeze %dma_start3A_263 : memref<1x1x128xi32, #tpu.memory_space<vmem>> -> memref<128xi32, #tpu.memory_space<vmem>>
        %dma_start3A_265 = arith.constant 0 : i32
        %dma_start3A_266 = arith.constant 0 : i32
        %dma_start3A_267 = tpu.memref_slice %arg2[%dma_start3A_265, %dma_start3A_266] : memref<80896x128xf32, #tpu.memory_space<hbm>> -> memref<80896x128xf32, #tpu.memory_space<hbm>>
        tpu.enqueue_indirect_dma source(%dma_start3A_267 : memref<80896x128xf32, #tpu.memory_space<hbm>>) target(%arg9 : memref<128x128xf32, #tpu.memory_space<vmem>>) offsets(%dma_start3A_264 : memref<128xi32, #tpu.memory_space<vmem>>) semaphore(%run_scoped3A_261 : memref<!tpu.dma_semaphore, #tpu.memory_space<semaphore_mem>>)
        %dma_wait3A_268 = arith.constant 0 : i32
        %dma_wait3A_269 = tpu.memref_slice %arg7[%run_scoped3A_148, %run_scoped3A_149, %dma_wait3A_268] : memref<2x8x128xi32, #tpu.memory_space<vmem>> -> memref<1x1x128xi32, #tpu.memory_space<vmem>>
        %dma_wait3A_270 = tpu.memref_squeeze %dma_wait3A_269 : memref<1x1x128xi32, #tpu.memory_space<vmem>> -> memref<128xi32, #tpu.memory_space<vmem>>
        %dma_wait3A_271 = arith.constant 0 : i32
        %dma_wait3A_272 = arith.constant 0 : i32
        %dma_wait3A_273 = tpu.memref_slice %arg2[%dma_wait3A_271, %dma_wait3A_272] : memref<80896x128xf32, #tpu.memory_space<hbm>> -> memref<80896x128xf32, #tpu.memory_space<hbm>>
        tpu.wait_indirect_dma semaphore(%run_scoped3A_261 : memref<!tpu.dma_semaphore, #tpu.memory_space<semaphore_mem>>) src(%dma_wait3A_273 : memref<80896x128xf32, #tpu.memory_space<hbm>>) dst(%arg9 : memref<128x128xf32, #tpu.memory_space<vmem>>)
        tpu.yield
      }) : () -> ()
      %run_scoped3A_150 = arith.constant 0 : i32
      %run_scoped3A_151 = arith.constant 2 : i32
      "tpu.region"() ({
        %run_scoped3A_261 = tpu.sem_alloc : memref<!tpu.dma_semaphore, #tpu.memory_space<semaphore_mem>>
        %dma_start3A_262 = arith.constant 0 : i32
        %dma_start3A_263 = tpu.memref_slice %arg8[%run_scoped3A_150, %run_scoped3A_151, %dma_start3A_262] : memref<2x8x128xi32, #tpu.memory_space<vmem>> -> memref<1x1x128xi32, #tpu.memory_space<vmem>>
        %dma_start3A_264 = tpu.memref_squeeze %dma_start3A_263 : memref<1x1x128xi32, #tpu.memory_space<vmem>> -> memref<128xi32, #tpu.memory_space<vmem>>
        %dma_start3A_265 = arith.constant 0 : i32
        %dma_start3A_266 = arith.constant 0 : i32
        %dma_start3A_267 = tpu.memref_slice %arg10[%dma_start3A_265, %dma_start3A_266] : memref<10112x128xf32, #tpu.memory_space<vmem_shared>> -> memref<10112x128xf32, #tpu.memory_space<vmem_shared>>
        tpu.enqueue_indirect_dma source(%arg9 : memref<128x128xf32, #tpu.memory_space<vmem>>) target(%dma_start3A_267 : memref<10112x128xf32, #tpu.memory_space<vmem_shared>>) offsets(%dma_start3A_264 : memref<128xi32, #tpu.memory_space<vmem>>) semaphore(%run_scoped3A_261 : memref<!tpu.dma_semaphore, #tpu.memory_space<semaphore_mem>>) {add = true}
        %dma_wait3A_268 = arith.constant 0 : i32
        %dma_wait3A_269 = tpu.memref_slice %arg8[%run_scoped3A_150, %run_scoped3A_151, %dma_wait3A_268] : memref<2x8x128xi32, #tpu.memory_space<vmem>> -> memref<1x1x128xi32, #tpu.memory_space<vmem>>
        %dma_wait3A_270 = tpu.memref_squeeze %dma_wait3A_269 : memref<1x1x128xi32, #tpu.memory_space<vmem>> -> memref<128xi32, #tpu.memory_space<vmem>>
        %dma_wait3A_271 = arith.constant 0 : i32
        %dma_wait3A_272 = arith.constant 0 : i32
        %dma_wait3A_273 = tpu.memref_slice %arg10[%dma_wait3A_271, %dma_wait3A_272] : memref<10112x128xf32, #tpu.memory_space<vmem_shared>> -> memref<10112x128xf32, #tpu.memory_space<vmem_shared>>
        tpu.wait_indirect_dma semaphore(%run_scoped3A_261 : memref<!tpu.dma_semaphore, #tpu.memory_space<semaphore_mem>>) src(%arg9 : memref<128x128xf32, #tpu.memory_space<vmem>>) dst(%dma_wait3A_273 : memref<10112x128xf32, #tpu.memory_space<vmem_shared>>)
        tpu.yield
      }) : () -> ()
      %run_scoped3A_152 = arith.constant 0 : i32
      %run_scoped3A_153 = arith.constant 3 : i32
      "tpu.region"() ({
        %run_scoped3A_261 = tpu.sem_alloc : memref<!tpu.dma_semaphore, #tpu.memory_space<semaphore_mem>>
        %dma_start3A_262 = arith.constant 0 : i32
        %dma_start3A_263 = tpu.memref_slice %arg7[%run_scoped3A_152, %run_scoped3A_153, %dma_start3A_262] : memref<2x8x128xi32, #tpu.memory_space<vmem>> -> memref<1x1x128xi32, #tpu.memory_space<vmem>>
        %dma_start3A_264 = tpu.memref_squeeze %dma_start3A_263 : memref<1x1x128xi32, #tpu.memory_space<vmem>> -> memref<128xi32, #tpu.memory_space<vmem>>
        %dma_start3A_265 = arith.constant 0 : i32
        %dma_start3A_266 = arith.constant 0 : i32
        %dma_start3A_267 = tpu.memref_slice %arg2[%dma_start3A_265, %dma_start3A_266] : memref<80896x128xf32, #tpu.memory_space<hbm>> -> memref<80896x128xf32, #tpu.memory_space<hbm>>
        tpu.enqueue_indirect_dma source(%dma_start3A_267 : memref<80896x128xf32, #tpu.memory_space<hbm>>) target(%arg9 : memref<128x128xf32, #tpu.memory_space<vmem>>) offsets(%dma_start3A_264 : memref<128xi32, #tpu.memory_space<vmem>>) semaphore(%run_scoped3A_261 : memref<!tpu.dma_semaphore, #tpu.memory_space<semaphore_mem>>)
        %dma_wait3A_268 = arith.constant 0 : i32
        %dma_wait3A_269 = tpu.memref_slice %arg7[%run_scoped3A_152, %run_scoped3A_153, %dma_wait3A_268] : memref<2x8x128xi32, #tpu.memory_space<vmem>> -> memref<1x1x128xi32, #tpu.memory_space<vmem>>
        %dma_wait3A_270 = tpu.memref_squeeze %dma_wait3A_269 : memref<1x1x128xi32, #tpu.memory_space<vmem>> -> memref<128xi32, #tpu.memory_space<vmem>>
        %dma_wait3A_271 = arith.constant 0 : i32
        %dma_wait3A_272 = arith.constant 0 : i32
        %dma_wait3A_273 = tpu.memref_slice %arg2[%dma_wait3A_271, %dma_wait3A_272] : memref<80896x128xf32, #tpu.memory_space<hbm>> -> memref<80896x128xf32, #tpu.memory_space<hbm>>
        tpu.wait_indirect_dma semaphore(%run_scoped3A_261 : memref<!tpu.dma_semaphore, #tpu.memory_space<semaphore_mem>>) src(%dma_wait3A_273 : memref<80896x128xf32, #tpu.memory_space<hbm>>) dst(%arg9 : memref<128x128xf32, #tpu.memory_space<vmem>>)
        tpu.yield
      }) : () -> ()
      %run_scoped3A_154 = arith.constant 0 : i32
      %run_scoped3A_155 = arith.constant 3 : i32
      "tpu.region"() ({
        %run_scoped3A_261 = tpu.sem_alloc : memref<!tpu.dma_semaphore, #tpu.memory_space<semaphore_mem>>
        %dma_start3A_262 = arith.constant 0 : i32
        %dma_start3A_263 = tpu.memref_slice %arg8[%run_scoped3A_154, %run_scoped3A_155, %dma_start3A_262] : memref<2x8x128xi32, #tpu.memory_space<vmem>> -> memref<1x1x128xi32, #tpu.memory_space<vmem>>
        %dma_start3A_264 = tpu.memref_squeeze %dma_start3A_263 : memref<1x1x128xi32, #tpu.memory_space<vmem>> -> memref<128xi32, #tpu.memory_space<vmem>>
        %dma_start3A_265 = arith.constant 0 : i32
        %dma_start3A_266 = arith.constant 0 : i32
        %dma_start3A_267 = tpu.memref_slice %arg10[%dma_start3A_265, %dma_start3A_266] : memref<10112x128xf32, #tpu.memory_space<vmem_shared>> -> memref<10112x128xf32, #tpu.memory_space<vmem_shared>>
        tpu.enqueue_indirect_dma source(%arg9 : memref<128x128xf32, #tpu.memory_space<vmem>>) target(%dma_start3A_267 : memref<10112x128xf32, #tpu.memory_space<vmem_shared>>) offsets(%dma_start3A_264 : memref<128xi32, #tpu.memory_space<vmem>>) semaphore(%run_scoped3A_261 : memref<!tpu.dma_semaphore, #tpu.memory_space<semaphore_mem>>) {add = true}
        %dma_wait3A_268 = arith.constant 0 : i32
        %dma_wait3A_269 = tpu.memref_slice %arg8[%run_scoped3A_154, %run_scoped3A_155, %dma_wait3A_268] : memref<2x8x128xi32, #tpu.memory_space<vmem>> -> memref<1x1x128xi32, #tpu.memory_space<vmem>>
        %dma_wait3A_270 = tpu.memref_squeeze %dma_wait3A_269 : memref<1x1x128xi32, #tpu.memory_space<vmem>> -> memref<128xi32, #tpu.memory_space<vmem>>
        %dma_wait3A_271 = arith.constant 0 : i32
        %dma_wait3A_272 = arith.constant 0 : i32
        %dma_wait3A_273 = tpu.memref_slice %arg10[%dma_wait3A_271, %dma_wait3A_272] : memref<10112x128xf32, #tpu.memory_space<vmem_shared>> -> memref<10112x128xf32, #tpu.memory_space<vmem_shared>>
        tpu.wait_indirect_dma semaphore(%run_scoped3A_261 : memref<!tpu.dma_semaphore, #tpu.memory_space<semaphore_mem>>) src(%arg9 : memref<128x128xf32, #tpu.memory_space<vmem>>) dst(%dma_wait3A_273 : memref<10112x128xf32, #tpu.memory_space<vmem_shared>>)
        tpu.yield
      }) : () -> ()
      %run_scoped3A_156 = arith.constant 0 : i32
      %run_scoped3A_157 = arith.constant 4 : i32
      "tpu.region"() ({
        %run_scoped3A_261 = tpu.sem_alloc : memref<!tpu.dma_semaphore, #tpu.memory_space<semaphore_mem>>
        %dma_start3A_262 = arith.constant 0 : i32
        %dma_start3A_263 = tpu.memref_slice %arg7[%run_scoped3A_156, %run_scoped3A_157, %dma_start3A_262] : memref<2x8x128xi32, #tpu.memory_space<vmem>> -> memref<1x1x128xi32, #tpu.memory_space<vmem>>
        %dma_start3A_264 = tpu.memref_squeeze %dma_start3A_263 : memref<1x1x128xi32, #tpu.memory_space<vmem>> -> memref<128xi32, #tpu.memory_space<vmem>>
        %dma_start3A_265 = arith.constant 0 : i32
        %dma_start3A_266 = arith.constant 0 : i32
        %dma_start3A_267 = tpu.memref_slice %arg2[%dma_start3A_265, %dma_start3A_266] : memref<80896x128xf32, #tpu.memory_space<hbm>> -> memref<80896x128xf32, #tpu.memory_space<hbm>>
        tpu.enqueue_indirect_dma source(%dma_start3A_267 : memref<80896x128xf32, #tpu.memory_space<hbm>>) target(%arg9 : memref<128x128xf32, #tpu.memory_space<vmem>>) offsets(%dma_start3A_264 : memref<128xi32, #tpu.memory_space<vmem>>) semaphore(%run_scoped3A_261 : memref<!tpu.dma_semaphore, #tpu.memory_space<semaphore_mem>>)
        %dma_wait3A_268 = arith.constant 0 : i32
        %dma_wait3A_269 = tpu.memref_slice %arg7[%run_scoped3A_156, %run_scoped3A_157, %dma_wait3A_268] : memref<2x8x128xi32, #tpu.memory_space<vmem>> -> memref<1x1x128xi32, #tpu.memory_space<vmem>>
        %dma_wait3A_270 = tpu.memref_squeeze %dma_wait3A_269 : memref<1x1x128xi32, #tpu.memory_space<vmem>> -> memref<128xi32, #tpu.memory_space<vmem>>
        %dma_wait3A_271 = arith.constant 0 : i32
        %dma_wait3A_272 = arith.constant 0 : i32
        %dma_wait3A_273 = tpu.memref_slice %arg2[%dma_wait3A_271, %dma_wait3A_272] : memref<80896x128xf32, #tpu.memory_space<hbm>> -> memref<80896x128xf32, #tpu.memory_space<hbm>>
        tpu.wait_indirect_dma semaphore(%run_scoped3A_261 : memref<!tpu.dma_semaphore, #tpu.memory_space<semaphore_mem>>) src(%dma_wait3A_273 : memref<80896x128xf32, #tpu.memory_space<hbm>>) dst(%arg9 : memref<128x128xf32, #tpu.memory_space<vmem>>)
        tpu.yield
      }) : () -> ()
      %run_scoped3A_158 = arith.constant 0 : i32
      %run_scoped3A_159 = arith.constant 4 : i32
      "tpu.region"() ({
        %run_scoped3A_261 = tpu.sem_alloc : memref<!tpu.dma_semaphore, #tpu.memory_space<semaphore_mem>>
        %dma_start3A_262 = arith.constant 0 : i32
        %dma_start3A_263 = tpu.memref_slice %arg8[%run_scoped3A_158, %run_scoped3A_159, %dma_start3A_262] : memref<2x8x128xi32, #tpu.memory_space<vmem>> -> memref<1x1x128xi32, #tpu.memory_space<vmem>>
        %dma_start3A_264 = tpu.memref_squeeze %dma_start3A_263 : memref<1x1x128xi32, #tpu.memory_space<vmem>> -> memref<128xi32, #tpu.memory_space<vmem>>
        %dma_start3A_265 = arith.constant 0 : i32
        %dma_start3A_266 = arith.constant 0 : i32
        %dma_start3A_267 = tpu.memref_slice %arg10[%dma_start3A_265, %dma_start3A_266] : memref<10112x128xf32, #tpu.memory_space<vmem_shared>> -> memref<10112x128xf32, #tpu.memory_space<vmem_shared>>
        tpu.enqueue_indirect_dma source(%arg9 : memref<128x128xf32, #tpu.memory_space<vmem>>) target(%dma_start3A_267 : memref<10112x128xf32, #tpu.memory_space<vmem_shared>>) offsets(%dma_start3A_264 : memref<128xi32, #tpu.memory_space<vmem>>) semaphore(%run_scoped3A_261 : memref<!tpu.dma_semaphore, #tpu.memory_space<semaphore_mem>>) {add = true}
        %dma_wait3A_268 = arith.constant 0 : i32
        %dma_wait3A_269 = tpu.memref_slice %arg8[%run_scoped3A_158, %run_scoped3A_159, %dma_wait3A_268] : memref<2x8x128xi32, #tpu.memory_space<vmem>> -> memref<1x1x128xi32, #tpu.memory_space<vmem>>
        %dma_wait3A_270 = tpu.memref_squeeze %dma_wait3A_269 : memref<1x1x128xi32, #tpu.memory_space<vmem>> -> memref<128xi32, #tpu.memory_space<vmem>>
        %dma_wait3A_271 = arith.constant 0 : i32
        %dma_wait3A_272 = arith.constant 0 : i32
        %dma_wait3A_273 = tpu.memref_slice %arg10[%dma_wait3A_271, %dma_wait3A_272] : memref<10112x128xf32, #tpu.memory_space<vmem_shared>> -> memref<10112x128xf32, #tpu.memory_space<vmem_shared>>
        tpu.wait_indirect_dma semaphore(%run_scoped3A_261 : memref<!tpu.dma_semaphore, #tpu.memory_space<semaphore_mem>>) src(%arg9 : memref<128x128xf32, #tpu.memory_space<vmem>>) dst(%dma_wait3A_273 : memref<10112x128xf32, #tpu.memory_space<vmem_shared>>)
        tpu.yield
      }) : () -> ()
      %run_scoped3A_160 = arith.constant 0 : i32
      %run_scoped3A_161 = arith.constant 5 : i32
      "tpu.region"() ({
        %run_scoped3A_261 = tpu.sem_alloc : memref<!tpu.dma_semaphore, #tpu.memory_space<semaphore_mem>>
        %dma_start3A_262 = arith.constant 0 : i32
        %dma_start3A_263 = tpu.memref_slice %arg7[%run_scoped3A_160, %run_scoped3A_161, %dma_start3A_262] : memref<2x8x128xi32, #tpu.memory_space<vmem>> -> memref<1x1x128xi32, #tpu.memory_space<vmem>>
        %dma_start3A_264 = tpu.memref_squeeze %dma_start3A_263 : memref<1x1x128xi32, #tpu.memory_space<vmem>> -> memref<128xi32, #tpu.memory_space<vmem>>
        %dma_start3A_265 = arith.constant 0 : i32
        %dma_start3A_266 = arith.constant 0 : i32
        %dma_start3A_267 = tpu.memref_slice %arg2[%dma_start3A_265, %dma_start3A_266] : memref<80896x128xf32, #tpu.memory_space<hbm>> -> memref<80896x128xf32, #tpu.memory_space<hbm>>
        tpu.enqueue_indirect_dma source(%dma_start3A_267 : memref<80896x128xf32, #tpu.memory_space<hbm>>) target(%arg9 : memref<128x128xf32, #tpu.memory_space<vmem>>) offsets(%dma_start3A_264 : memref<128xi32, #tpu.memory_space<vmem>>) semaphore(%run_scoped3A_261 : memref<!tpu.dma_semaphore, #tpu.memory_space<semaphore_mem>>)
        %dma_wait3A_268 = arith.constant 0 : i32
        %dma_wait3A_269 = tpu.memref_slice %arg7[%run_scoped3A_160, %run_scoped3A_161, %dma_wait3A_268] : memref<2x8x128xi32, #tpu.memory_space<vmem>> -> memref<1x1x128xi32, #tpu.memory_space<vmem>>
        %dma_wait3A_270 = tpu.memref_squeeze %dma_wait3A_269 : memref<1x1x128xi32, #tpu.memory_space<vmem>> -> memref<128xi32, #tpu.memory_space<vmem>>
        %dma_wait3A_271 = arith.constant 0 : i32
        %dma_wait3A_272 = arith.constant 0 : i32
        %dma_wait3A_273 = tpu.memref_slice %arg2[%dma_wait3A_271, %dma_wait3A_272] : memref<80896x128xf32, #tpu.memory_space<hbm>> -> memref<80896x128xf32, #tpu.memory_space<hbm>>
        tpu.wait_indirect_dma semaphore(%run_scoped3A_261 : memref<!tpu.dma_semaphore, #tpu.memory_space<semaphore_mem>>) src(%dma_wait3A_273 : memref<80896x128xf32, #tpu.memory_space<hbm>>) dst(%arg9 : memref<128x128xf32, #tpu.memory_space<vmem>>)
        tpu.yield
      }) : () -> ()
      %run_scoped3A_162 = arith.constant 0 : i32
      %run_scoped3A_163 = arith.constant 5 : i32
      "tpu.region"() ({
        %run_scoped3A_261 = tpu.sem_alloc : memref<!tpu.dma_semaphore, #tpu.memory_space<semaphore_mem>>
        %dma_start3A_262 = arith.constant 0 : i32
        %dma_start3A_263 = tpu.memref_slice %arg8[%run_scoped3A_162, %run_scoped3A_163, %dma_start3A_262] : memref<2x8x128xi32, #tpu.memory_space<vmem>> -> memref<1x1x128xi32, #tpu.memory_space<vmem>>
        %dma_start3A_264 = tpu.memref_squeeze %dma_start3A_263 : memref<1x1x128xi32, #tpu.memory_space<vmem>> -> memref<128xi32, #tpu.memory_space<vmem>>
        %dma_start3A_265 = arith.constant 0 : i32
        %dma_start3A_266 = arith.constant 0 : i32
        %dma_start3A_267 = tpu.memref_slice %arg10[%dma_start3A_265, %dma_start3A_266] : memref<10112x128xf32, #tpu.memory_space<vmem_shared>> -> memref<10112x128xf32, #tpu.memory_space<vmem_shared>>
        tpu.enqueue_indirect_dma source(%arg9 : memref<128x128xf32, #tpu.memory_space<vmem>>) target(%dma_start3A_267 : memref<10112x128xf32, #tpu.memory_space<vmem_shared>>) offsets(%dma_start3A_264 : memref<128xi32, #tpu.memory_space<vmem>>) semaphore(%run_scoped3A_261 : memref<!tpu.dma_semaphore, #tpu.memory_space<semaphore_mem>>) {add = true}
        %dma_wait3A_268 = arith.constant 0 : i32
        %dma_wait3A_269 = tpu.memref_slice %arg8[%run_scoped3A_162, %run_scoped3A_163, %dma_wait3A_268] : memref<2x8x128xi32, #tpu.memory_space<vmem>> -> memref<1x1x128xi32, #tpu.memory_space<vmem>>
        %dma_wait3A_270 = tpu.memref_squeeze %dma_wait3A_269 : memref<1x1x128xi32, #tpu.memory_space<vmem>> -> memref<128xi32, #tpu.memory_space<vmem>>
        %dma_wait3A_271 = arith.constant 0 : i32
        %dma_wait3A_272 = arith.constant 0 : i32
        %dma_wait3A_273 = tpu.memref_slice %arg10[%dma_wait3A_271, %dma_wait3A_272] : memref<10112x128xf32, #tpu.memory_space<vmem_shared>> -> memref<10112x128xf32, #tpu.memory_space<vmem_shared>>
        tpu.wait_indirect_dma semaphore(%run_scoped3A_261 : memref<!tpu.dma_semaphore, #tpu.memory_space<semaphore_mem>>) src(%arg9 : memref<128x128xf32, #tpu.memory_space<vmem>>) dst(%dma_wait3A_273 : memref<10112x128xf32, #tpu.memory_space<vmem_shared>>)
        tpu.yield
      }) : () -> ()
      %run_scoped3A_164 = arith.constant 0 : i32
      %run_scoped3A_165 = arith.constant 6 : i32
      "tpu.region"() ({
        %run_scoped3A_261 = tpu.sem_alloc : memref<!tpu.dma_semaphore, #tpu.memory_space<semaphore_mem>>
        %dma_start3A_262 = arith.constant 0 : i32
        %dma_start3A_263 = tpu.memref_slice %arg7[%run_scoped3A_164, %run_scoped3A_165, %dma_start3A_262] : memref<2x8x128xi32, #tpu.memory_space<vmem>> -> memref<1x1x128xi32, #tpu.memory_space<vmem>>
        %dma_start3A_264 = tpu.memref_squeeze %dma_start3A_263 : memref<1x1x128xi32, #tpu.memory_space<vmem>> -> memref<128xi32, #tpu.memory_space<vmem>>
        %dma_start3A_265 = arith.constant 0 : i32
        %dma_start3A_266 = arith.constant 0 : i32
        %dma_start3A_267 = tpu.memref_slice %arg2[%dma_start3A_265, %dma_start3A_266] : memref<80896x128xf32, #tpu.memory_space<hbm>> -> memref<80896x128xf32, #tpu.memory_space<hbm>>
        tpu.enqueue_indirect_dma source(%dma_start3A_267 : memref<80896x128xf32, #tpu.memory_space<hbm>>) target(%arg9 : memref<128x128xf32, #tpu.memory_space<vmem>>) offsets(%dma_start3A_264 : memref<128xi32, #tpu.memory_space<vmem>>) semaphore(%run_scoped3A_261 : memref<!tpu.dma_semaphore, #tpu.memory_space<semaphore_mem>>)
        %dma_wait3A_268 = arith.constant 0 : i32
        %dma_wait3A_269 = tpu.memref_slice %arg7[%run_scoped3A_164, %run_scoped3A_165, %dma_wait3A_268] : memref<2x8x128xi32, #tpu.memory_space<vmem>> -> memref<1x1x128xi32, #tpu.memory_space<vmem>>
        %dma_wait3A_270 = tpu.memref_squeeze %dma_wait3A_269 : memref<1x1x128xi32, #tpu.memory_space<vmem>> -> memref<128xi32, #tpu.memory_space<vmem>>
        %dma_wait3A_271 = arith.constant 0 : i32
        %dma_wait3A_272 = arith.constant 0 : i32
        %dma_wait3A_273 = tpu.memref_slice %arg2[%dma_wait3A_271, %dma_wait3A_272] : memref<80896x128xf32, #tpu.memory_space<hbm>> -> memref<80896x128xf32, #tpu.memory_space<hbm>>
        tpu.wait_indirect_dma semaphore(%run_scoped3A_261 : memref<!tpu.dma_semaphore, #tpu.memory_space<semaphore_mem>>) src(%dma_wait3A_273 : memref<80896x128xf32, #tpu.memory_space<hbm>>) dst(%arg9 : memref<128x128xf32, #tpu.memory_space<vmem>>)
        tpu.yield
      }) : () -> ()
      %run_scoped3A_166 = arith.constant 0 : i32
      %run_scoped3A_167 = arith.constant 6 : i32
      "tpu.region"() ({
        %run_scoped3A_261 = tpu.sem_alloc : memref<!tpu.dma_semaphore, #tpu.memory_space<semaphore_mem>>
        %dma_start3A_262 = arith.constant 0 : i32
        %dma_start3A_263 = tpu.memref_slice %arg8[%run_scoped3A_166, %run_scoped3A_167, %dma_start3A_262] : memref<2x8x128xi32, #tpu.memory_space<vmem>> -> memref<1x1x128xi32, #tpu.memory_space<vmem>>
        %dma_start3A_264 = tpu.memref_squeeze %dma_start3A_263 : memref<1x1x128xi32, #tpu.memory_space<vmem>> -> memref<128xi32, #tpu.memory_space<vmem>>
        %dma_start3A_265 = arith.constant 0 : i32
        %dma_start3A_266 = arith.constant 0 : i32
        %dma_start3A_267 = tpu.memref_slice %arg10[%dma_start3A_265, %dma_start3A_266] : memref<10112x128xf32, #tpu.memory_space<vmem_shared>> -> memref<10112x128xf32, #tpu.memory_space<vmem_shared>>
        tpu.enqueue_indirect_dma source(%arg9 : memref<128x128xf32, #tpu.memory_space<vmem>>) target(%dma_start3A_267 : memref<10112x128xf32, #tpu.memory_space<vmem_shared>>) offsets(%dma_start3A_264 : memref<128xi32, #tpu.memory_space<vmem>>) semaphore(%run_scoped3A_261 : memref<!tpu.dma_semaphore, #tpu.memory_space<semaphore_mem>>) {add = true}
        %dma_wait3A_268 = arith.constant 0 : i32
        %dma_wait3A_269 = tpu.memref_slice %arg8[%run_scoped3A_166, %run_scoped3A_167, %dma_wait3A_268] : memref<2x8x128xi32, #tpu.memory_space<vmem>> -> memref<1x1x128xi32, #tpu.memory_space<vmem>>
        %dma_wait3A_270 = tpu.memref_squeeze %dma_wait3A_269 : memref<1x1x128xi32, #tpu.memory_space<vmem>> -> memref<128xi32, #tpu.memory_space<vmem>>
        %dma_wait3A_271 = arith.constant 0 : i32
        %dma_wait3A_272 = arith.constant 0 : i32
        %dma_wait3A_273 = tpu.memref_slice %arg10[%dma_wait3A_271, %dma_wait3A_272] : memref<10112x128xf32, #tpu.memory_space<vmem_shared>> -> memref<10112x128xf32, #tpu.memory_space<vmem_shared>>
        tpu.wait_indirect_dma semaphore(%run_scoped3A_261 : memref<!tpu.dma_semaphore, #tpu.memory_space<semaphore_mem>>) src(%arg9 : memref<128x128xf32, #tpu.memory_space<vmem>>) dst(%dma_wait3A_273 : memref<10112x128xf32, #tpu.memory_space<vmem_shared>>)
        tpu.yield
      }) : () -> ()
      %run_scoped3A_168 = arith.constant 0 : i32
      %run_scoped3A_169 = arith.constant 7 : i32
      "tpu.region"() ({
        %run_scoped3A_261 = tpu.sem_alloc : memref<!tpu.dma_semaphore, #tpu.memory_space<semaphore_mem>>
        %dma_start3A_262 = arith.constant 0 : i32
        %dma_start3A_263 = tpu.memref_slice %arg7[%run_scoped3A_168, %run_scoped3A_169, %dma_start3A_262] : memref<2x8x128xi32, #tpu.memory_space<vmem>> -> memref<1x1x128xi32, #tpu.memory_space<vmem>>
        %dma_start3A_264 = tpu.memref_squeeze %dma_start3A_263 : memref<1x1x128xi32, #tpu.memory_space<vmem>> -> memref<128xi32, #tpu.memory_space<vmem>>
        %dma_start3A_265 = arith.constant 0 : i32
        %dma_start3A_266 = arith.constant 0 : i32
        %dma_start3A_267 = tpu.memref_slice %arg2[%dma_start3A_265, %dma_start3A_266] : memref<80896x128xf32, #tpu.memory_space<hbm>> -> memref<80896x128xf32, #tpu.memory_space<hbm>>
        tpu.enqueue_indirect_dma source(%dma_start3A_267 : memref<80896x128xf32, #tpu.memory_space<hbm>>) target(%arg9 : memref<128x128xf32, #tpu.memory_space<vmem>>) offsets(%dma_start3A_264 : memref<128xi32, #tpu.memory_space<vmem>>) semaphore(%run_scoped3A_261 : memref<!tpu.dma_semaphore, #tpu.memory_space<semaphore_mem>>)
        %dma_wait3A_268 = arith.constant 0 : i32
        %dma_wait3A_269 = tpu.memref_slice %arg7[%run_scoped3A_168, %run_scoped3A_169, %dma_wait3A_268] : memref<2x8x128xi32, #tpu.memory_space<vmem>> -> memref<1x1x128xi32, #tpu.memory_space<vmem>>
        %dma_wait3A_270 = tpu.memref_squeeze %dma_wait3A_269 : memref<1x1x128xi32, #tpu.memory_space<vmem>> -> memref<128xi32, #tpu.memory_space<vmem>>
        %dma_wait3A_271 = arith.constant 0 : i32
        %dma_wait3A_272 = arith.constant 0 : i32
        %dma_wait3A_273 = tpu.memref_slice %arg2[%dma_wait3A_271, %dma_wait3A_272] : memref<80896x128xf32, #tpu.memory_space<hbm>> -> memref<80896x128xf32, #tpu.memory_space<hbm>>
        tpu.wait_indirect_dma semaphore(%run_scoped3A_261 : memref<!tpu.dma_semaphore, #tpu.memory_space<semaphore_mem>>) src(%dma_wait3A_273 : memref<80896x128xf32, #tpu.memory_space<hbm>>) dst(%arg9 : memref<128x128xf32, #tpu.memory_space<vmem>>)
        tpu.yield
      }) : () -> ()
      %run_scoped3A_170 = arith.constant 0 : i32
      %run_scoped3A_171 = arith.constant 7 : i32
      "tpu.region"() ({
        %run_scoped3A_261 = tpu.sem_alloc : memref<!tpu.dma_semaphore, #tpu.memory_space<semaphore_mem>>
        %dma_start3A_262 = arith.constant 0 : i32
        %dma_start3A_263 = tpu.memref_slice %arg8[%run_scoped3A_170, %run_scoped3A_171, %dma_start3A_262] : memref<2x8x128xi32, #tpu.memory_space<vmem>> -> memref<1x1x128xi32, #tpu.memory_space<vmem>>
        %dma_start3A_264 = tpu.memref_squeeze %dma_start3A_263 : memref<1x1x128xi32, #tpu.memory_space<vmem>> -> memref<128xi32, #tpu.memory_space<vmem>>
        %dma_start3A_265 = arith.constant 0 : i32
        %dma_start3A_266 = arith.constant 0 : i32
        %dma_start3A_267 = tpu.memref_slice %arg10[%dma_start3A_265, %dma_start3A_266] : memref<10112x128xf32, #tpu.memory_space<vmem_shared>> -> memref<10112x128xf32, #tpu.memory_space<vmem_shared>>
        tpu.enqueue_indirect_dma source(%arg9 : memref<128x128xf32, #tpu.memory_space<vmem>>) target(%dma_start3A_267 : memref<10112x128xf32, #tpu.memory_space<vmem_shared>>) offsets(%dma_start3A_264 : memref<128xi32, #tpu.memory_space<vmem>>) semaphore(%run_scoped3A_261 : memref<!tpu.dma_semaphore, #tpu.memory_space<semaphore_mem>>) {add = true}
        %dma_wait3A_268 = arith.constant 0 : i32
        %dma_wait3A_269 = tpu.memref_slice %arg8[%run_scoped3A_170, %run_scoped3A_171, %dma_wait3A_268] : memref<2x8x128xi32, #tpu.memory_space<vmem>> -> memref<1x1x128xi32, #tpu.memory_space<vmem>>
        %dma_wait3A_270 = tpu.memref_squeeze %dma_wait3A_269 : memref<1x1x128xi32, #tpu.memory_space<vmem>> -> memref<128xi32, #tpu.memory_space<vmem>>
        %dma_wait3A_271 = arith.constant 0 : i32
        %dma_wait3A_272 = arith.constant 0 : i32
        %dma_wait3A_273 = tpu.memref_slice %arg10[%dma_wait3A_271, %dma_wait3A_272] : memref<10112x128xf32, #tpu.memory_space<vmem_shared>> -> memref<10112x128xf32, #tpu.memory_space<vmem_shared>>
        tpu.wait_indirect_dma semaphore(%run_scoped3A_261 : memref<!tpu.dma_semaphore, #tpu.memory_space<semaphore_mem>>) src(%arg9 : memref<128x128xf32, #tpu.memory_space<vmem>>) dst(%dma_wait3A_273 : memref<10112x128xf32, #tpu.memory_space<vmem_shared>>)
        tpu.yield
      }) : () -> ()
      %add3A_172 = arith.constant 2 : i32
      %add3A_173 = arith.addi %add3A_97, %add3A_172 : i32
      %lt3A = arith.constant 10 : i32
      %lt3A_174 = arith.cmpi slt, %add3A_173, %lt3A : i32
      %convert_element_type3A = arith.extui %lt3A_174 : i1 to i32
      %cond3A = arith.constant 0 : i32
      %cond3A_175 = arith.cmpi ne, %convert_element_type3A, %cond3A : i32
      scf.if %cond3A_175 {
        %add3A_261 = arith.constant 2 : i32
        %add3A_262 = arith.addi %add3A_97, %add3A_261 : i32
        %dma_start3A_263 = arith.constant 0 : i32
        %dma_start3A_264 = arith.constant 0 : i32
        %dma_start3A_265 = arith.constant 0 : i32
        %dma_start3A_266 = arith.constant 0 : i32
        %dma_start3A_267 = tpu.memref_slice %arg7[%dma_start3A_263, %dma_start3A_265, %dma_start3A_266] : memref<2x8x128xi32, #tpu.memory_space<vmem>> -> memref<1x8x128xi32, #tpu.memory_space<vmem>>
        %dma_start3A_268 = tpu.memref_squeeze %dma_start3A_267 : memref<1x8x128xi32, #tpu.memory_space<vmem>> -> memref<8x128xi32, #tpu.memory_space<vmem>>
        %dma_start3A_269 = arith.constant 0 : i32
        %dma_start3A_270 = arith.constant 0 : i32
        %dma_start3A_271 = tpu.memref_slice %arg3[%add3A, %add3A_262, %dma_start3A_269, %dma_start3A_270] : memref<32x10x8x128xi32, #tpu.memory_space<hbm>> -> memref<1x1x8x128xi32, #tpu.memory_space<hbm>>
        %dma_start3A_272 = tpu.memref_squeeze %dma_start3A_271 : memref<1x1x8x128xi32, #tpu.memory_space<hbm>> -> memref<8x128xi32, #tpu.memory_space<hbm>>
        %dma_start3A_273 = tpu.memref_slice %arg11[%dma_start3A_264] : memref<2x!tpu.dma_semaphore, #tpu.memory_space<semaphore_mem>> -> memref<1x!tpu.dma_semaphore, #tpu.memory_space<semaphore_mem>>
        %dma_start3A_274 = tpu.memref_squeeze %dma_start3A_273 : memref<1x!tpu.dma_semaphore, #tpu.memory_space<semaphore_mem>> -> memref<!tpu.dma_semaphore, #tpu.memory_space<semaphore_mem>>
        %dma_start3A_275 = arith.constant 0 : i32
        %dma_start3A_276 = arith.constant 0 : i32
        %dma_start3A_277 = tpu.memref_slice %arg7[%dma_start3A_263, %dma_start3A_275, %dma_start3A_276] : memref<2x8x128xi32, #tpu.memory_space<vmem>> -> memref<1x8x128xi32, #tpu.memory_space<vmem>>
        %dma_start3A_278 = tpu.memref_squeeze %dma_start3A_277 : memref<1x8x128xi32, #tpu.memory_space<vmem>> -> memref<8x128xi32, #tpu.memory_space<vmem>>
        %dma_start3A_279 = arith.constant 0 : i32
        %dma_start3A_280 = arith.constant 0 : i32
        %dma_start3A_281 = tpu.memref_slice %arg3[%add3A, %add3A_262, %dma_start3A_279, %dma_start3A_280] : memref<32x10x8x128xi32, #tpu.memory_space<hbm>> -> memref<1x1x8x128xi32, #tpu.memory_space<hbm>>
        %dma_start3A_282 = tpu.memref_squeeze %dma_start3A_281 : memref<1x1x8x128xi32, #tpu.memory_space<hbm>> -> memref<8x128xi32, #tpu.memory_space<hbm>>
        tpu.enqueue_dma source(%dma_start3A_282 : memref<8x128xi32, #tpu.memory_space<hbm>>) target(%dma_start3A_278 : memref<8x128xi32, #tpu.memory_space<vmem>>) target_semaphore(%dma_start3A_274 : memref<!tpu.dma_semaphore, #tpu.memory_space<semaphore_mem>>)
        %dma_start3A_283 = arith.constant 0 : i32
        %dma_start3A_284 = arith.constant 0 : i32
        %dma_start3A_285 = arith.constant 0 : i32
        %dma_start3A_286 = arith.constant 0 : i32
        %dma_start3A_287 = tpu.memref_slice %arg8[%dma_start3A_283, %dma_start3A_285, %dma_start3A_286] : memref<2x8x128xi32, #tpu.memory_space<vmem>> -> memref<1x8x128xi32, #tpu.memory_space<vmem>>
        %dma_start3A_288 = tpu.memref_squeeze %dma_start3A_287 : memref<1x8x128xi32, #tpu.memory_space<vmem>> -> memref<8x128xi32, #tpu.memory_space<vmem>>
        %dma_start3A_289 = arith.constant 0 : i32
        %dma_start3A_290 = arith.constant 0 : i32
        %dma_start3A_291 = tpu.memref_slice %arg4[%add3A, %add3A_262, %dma_start3A_289, %dma_start3A_290] : memref<32x10x8x128xi32, #tpu.memory_space<hbm>> -> memref<1x1x8x128xi32, #tpu.memory_space<hbm>>
        %dma_start3A_292 = tpu.memref_squeeze %dma_start3A_291 : memref<1x1x8x128xi32, #tpu.memory_space<hbm>> -> memref<8x128xi32, #tpu.memory_space<hbm>>
        %dma_start3A_293 = tpu.memref_slice %arg11[%dma_start3A_284] : memref<2x!tpu.dma_semaphore, #tpu.memory_space<semaphore_mem>> -> memref<1x!tpu.dma_semaphore, #tpu.memory_space<semaphore_mem>>
        %dma_start3A_294 = tpu.memref_squeeze %dma_start3A_293 : memref<1x!tpu.dma_semaphore, #tpu.memory_space<semaphore_mem>> -> memref<!tpu.dma_semaphore, #tpu.memory_space<semaphore_mem>>
        %dma_start3A_295 = arith.constant 0 : i32
        %dma_start3A_296 = arith.constant 0 : i32
        %dma_start3A_297 = tpu.memref_slice %arg8[%dma_start3A_283, %dma_start3A_295, %dma_start3A_296] : memref<2x8x128xi32, #tpu.memory_space<vmem>> -> memref<1x8x128xi32, #tpu.memory_space<vmem>>
        %dma_start3A_298 = tpu.memref_squeeze %dma_start3A_297 : memref<1x8x128xi32, #tpu.memory_space<vmem>> -> memref<8x128xi32, #tpu.memory_space<vmem>>
        %dma_start3A_299 = arith.constant 0 : i32
        %dma_start3A_300 = arith.constant 0 : i32
        %dma_start3A_301 = tpu.memref_slice %arg4[%add3A, %add3A_262, %dma_start3A_299, %dma_start3A_300] : memref<32x10x8x128xi32, #tpu.memory_space<hbm>> -> memref<1x1x8x128xi32, #tpu.memory_space<hbm>>
        %dma_start3A_302 = tpu.memref_squeeze %dma_start3A_301 : memref<1x1x8x128xi32, #tpu.memory_space<hbm>> -> memref<8x128xi32, #tpu.memory_space<hbm>>
        tpu.enqueue_dma source(%dma_start3A_302 : memref<8x128xi32, #tpu.memory_space<hbm>>) target(%dma_start3A_298 : memref<8x128xi32, #tpu.memory_space<vmem>>) target_semaphore(%dma_start3A_294 : memref<!tpu.dma_semaphore, #tpu.memory_space<semaphore_mem>>)
      } else {
      }
      %add3A_176 = arith.constant 1 : i32
      %add3A_177 = arith.addi %add3A_95, %add3A_176 : i32
      %dma_wait3A_178 = arith.constant 0 : i32
      %dma_wait3A_179 = arith.constant 0 : i32
      %dma_wait3A_180 = arith.constant 1 : i32
      %dma_wait3A_181 = arith.constant 1 : i32
      %dma_wait3A_182 = arith.constant 0 : i32
      %dma_wait3A_183 = arith.constant 0 : i32
      %dma_wait3A_184 = tpu.memref_slice %arg7[%dma_wait3A_180, %dma_wait3A_182, %dma_wait3A_183] : memref<2x8x128xi32, #tpu.memory_space<vmem>> -> memref<1x8x128xi32, #tpu.memory_space<vmem>>
      %dma_wait3A_185 = tpu.memref_squeeze %dma_wait3A_184 : memref<1x8x128xi32, #tpu.memory_space<vmem>> -> memref<8x128xi32, #tpu.memory_space<vmem>>
      %dma_wait3A_186 = arith.constant 0 : i32
      %dma_wait3A_187 = arith.constant 0 : i32
      %dma_wait3A_188 = tpu.memref_slice %arg3[%dma_wait3A_178, %dma_wait3A_179, %dma_wait3A_186, %dma_wait3A_187] : memref<32x10x8x128xi32, #tpu.memory_space<hbm>> -> memref<1x1x8x128xi32, #tpu.memory_space<hbm>>
      %dma_wait3A_189 = tpu.memref_squeeze %dma_wait3A_188 : memref<1x1x8x128xi32, #tpu.memory_space<hbm>> -> memref<8x128xi32, #tpu.memory_space<hbm>>
      %dma_wait3A_190 = tpu.memref_slice %arg11[%dma_wait3A_181] : memref<2x!tpu.dma_semaphore, #tpu.memory_space<semaphore_mem>> -> memref<1x!tpu.dma_semaphore, #tpu.memory_space<semaphore_mem>>
      %dma_wait3A_191 = tpu.memref_squeeze %dma_wait3A_190 : memref<1x!tpu.dma_semaphore, #tpu.memory_space<semaphore_mem>> -> memref<!tpu.dma_semaphore, #tpu.memory_space<semaphore_mem>>
      %dma_wait3A_192 = arith.constant 0 : i32
      %dma_wait3A_193 = arith.constant 0 : i32
      %dma_wait3A_194 = tpu.memref_slice %arg7[%dma_wait3A_180, %dma_wait3A_192, %dma_wait3A_193] : memref<2x8x128xi32, #tpu.memory_space<vmem>> -> memref<1x8x128xi32, #tpu.memory_space<vmem>>
      %dma_wait3A_195 = tpu.memref_squeeze %dma_wait3A_194 : memref<1x8x128xi32, #tpu.memory_space<vmem>> -> memref<8x128xi32, #tpu.memory_space<vmem>>
      %dma_wait3A_196 = arith.constant 0 : i32
      %dma_wait3A_197 = arith.constant 0 : i32
      %dma_wait3A_198 = tpu.memref_slice %arg3[%dma_wait3A_178, %dma_wait3A_179, %dma_wait3A_196, %dma_wait3A_197] : memref<32x10x8x128xi32, #tpu.memory_space<hbm>> -> memref<1x1x8x128xi32, #tpu.memory_space<hbm>>
      %dma_wait3A_199 = tpu.memref_squeeze %dma_wait3A_198 : memref<1x1x8x128xi32, #tpu.memory_space<hbm>> -> memref<8x128xi32, #tpu.memory_space<hbm>>
      tpu.wait_dma2 semaphore(%dma_wait3A_191 : memref<!tpu.dma_semaphore, #tpu.memory_space<semaphore_mem>>) src(%dma_wait3A_199 : memref<8x128xi32, #tpu.memory_space<hbm>>) dst(%dma_wait3A_195 : memref<8x128xi32, #tpu.memory_space<vmem>>)
      %dma_wait3A_200 = arith.constant 0 : i32
      %dma_wait3A_201 = arith.constant 0 : i32
      %dma_wait3A_202 = arith.constant 1 : i32
      %dma_wait3A_203 = arith.constant 1 : i32
      %dma_wait3A_204 = arith.constant 0 : i32
      %dma_wait3A_205 = arith.constant 0 : i32
      %dma_wait3A_206 = tpu.memref_slice %arg8[%dma_wait3A_202, %dma_wait3A_204, %dma_wait3A_205] : memref<2x8x128xi32, #tpu.memory_space<vmem>> -> memref<1x8x128xi32, #tpu.memory_space<vmem>>
      %dma_wait3A_207 = tpu.memref_squeeze %dma_wait3A_206 : memref<1x8x128xi32, #tpu.memory_space<vmem>> -> memref<8x128xi32, #tpu.memory_space<vmem>>
      %dma_wait3A_208 = arith.constant 0 : i32
      %dma_wait3A_209 = arith.constant 0 : i32
      %dma_wait3A_210 = tpu.memref_slice %arg4[%dma_wait3A_200, %dma_wait3A_201, %dma_wait3A_208, %dma_wait3A_209] : memref<32x10x8x128xi32, #tpu.memory_space<hbm>> -> memref<1x1x8x128xi32, #tpu.memory_space<hbm>>
      %dma_wait3A_211 = tpu.memref_squeeze %dma_wait3A_210 : memref<1x1x8x128xi32, #tpu.memory_space<hbm>> -> memref<8x128xi32, #tpu.memory_space<hbm>>
      %dma_wait3A_212 = tpu.memref_slice %arg11[%dma_wait3A_203] : memref<2x!tpu.dma_semaphore, #tpu.memory_space<semaphore_mem>> -> memref<1x!tpu.dma_semaphore, #tpu.memory_space<semaphore_mem>>
      %dma_wait3A_213 = tpu.memref_squeeze %dma_wait3A_212 : memref<1x!tpu.dma_semaphore, #tpu.memory_space<semaphore_mem>> -> memref<!tpu.dma_semaphore, #tpu.memory_space<semaphore_mem>>
      %dma_wait3A_214 = arith.constant 0 : i32
      %dma_wait3A_215 = arith.constant 0 : i32
      %dma_wait3A_216 = tpu.memref_slice %arg8[%dma_wait3A_202, %dma_wait3A_214, %dma_wait3A_215] : memref<2x8x128xi32, #tpu.memory_space<vmem>> -> memref<1x8x128xi32, #tpu.memory_space<vmem>>
      %dma_wait3A_217 = tpu.memref_squeeze %dma_wait3A_216 : memref<1x8x128xi32, #tpu.memory_space<vmem>> -> memref<8x128xi32, #tpu.memory_space<vmem>>
      %dma_wait3A_218 = arith.constant 0 : i32
      %dma_wait3A_219 = arith.constant 0 : i32
      %dma_wait3A_220 = tpu.memref_slice %arg4[%dma_wait3A_200, %dma_wait3A_201, %dma_wait3A_218, %dma_wait3A_219] : memref<32x10x8x128xi32, #tpu.memory_space<hbm>> -> memref<1x1x8x128xi32, #tpu.memory_space<hbm>>
      %dma_wait3A_221 = tpu.memref_squeeze %dma_wait3A_220 : memref<1x1x8x128xi32, #tpu.memory_space<hbm>> -> memref<8x128xi32, #tpu.memory_space<hbm>>
      tpu.wait_dma2 semaphore(%dma_wait3A_213 : memref<!tpu.dma_semaphore, #tpu.memory_space<semaphore_mem>>) src(%dma_wait3A_221 : memref<8x128xi32, #tpu.memory_space<hbm>>) dst(%dma_wait3A_217 : memref<8x128xi32, #tpu.memory_space<vmem>>)
      %run_scoped3A_222 = arith.constant 1 : i32
      %run_scoped3A_223 = arith.constant 0 : i32
      "tpu.region"() ({
        %run_scoped3A_261 = tpu.sem_alloc : memref<!tpu.dma_semaphore, #tpu.memory_space<semaphore_mem>>
        %dma_start3A_262 = arith.constant 0 : i32
        %dma_start3A_263 = tpu.memref_slice %arg7[%run_scoped3A_222, %run_scoped3A_223, %dma_start3A_262] : memref<2x8x128xi32, #tpu.memory_space<vmem>> -> memref<1x1x128xi32, #tpu.memory_space<vmem>>
        %dma_start3A_264 = tpu.memref_squeeze %dma_start3A_263 : memref<1x1x128xi32, #tpu.memory_space<vmem>> -> memref<128xi32, #tpu.memory_space<vmem>>
        %dma_start3A_265 = arith.constant 0 : i32
        %dma_start3A_266 = arith.constant 0 : i32
        %dma_start3A_267 = tpu.memref_slice %arg2[%dma_start3A_265, %dma_start3A_266] : memref<80896x128xf32, #tpu.memory_space<hbm>> -> memref<80896x128xf32, #tpu.memory_space<hbm>>
        tpu.enqueue_indirect_dma source(%dma_start3A_267 : memref<80896x128xf32, #tpu.memory_space<hbm>>) target(%arg9 : memref<128x128xf32, #tpu.memory_space<vmem>>) offsets(%dma_start3A_264 : memref<128xi32, #tpu.memory_space<vmem>>) semaphore(%run_scoped3A_261 : memref<!tpu.dma_semaphore, #tpu.memory_space<semaphore_mem>>)
        %dma_wait3A_268 = arith.constant 0 : i32
        %dma_wait3A_269 = tpu.memref_slice %arg7[%run_scoped3A_222, %run_scoped3A_223, %dma_wait3A_268] : memref<2x8x128xi32, #tpu.memory_space<vmem>> -> memref<1x1x128xi32, #tpu.memory_space<vmem>>
        %dma_wait3A_270 = tpu.memref_squeeze %dma_wait3A_269 : memref<1x1x128xi32, #tpu.memory_space<vmem>> -> memref<128xi32, #tpu.memory_space<vmem>>
        %dma_wait3A_271 = arith.constant 0 : i32
        %dma_wait3A_272 = arith.constant 0 : i32
        %dma_wait3A_273 = tpu.memref_slice %arg2[%dma_wait3A_271, %dma_wait3A_272] : memref<80896x128xf32, #tpu.memory_space<hbm>> -> memref<80896x128xf32, #tpu.memory_space<hbm>>
        tpu.wait_indirect_dma semaphore(%run_scoped3A_261 : memref<!tpu.dma_semaphore, #tpu.memory_space<semaphore_mem>>) src(%dma_wait3A_273 : memref<80896x128xf32, #tpu.memory_space<hbm>>) dst(%arg9 : memref<128x128xf32, #tpu.memory_space<vmem>>)
        tpu.yield
      }) : () -> ()
      %run_scoped3A_224 = arith.constant 1 : i32
      %run_scoped3A_225 = arith.constant 0 : i32
      "tpu.region"() ({
        %run_scoped3A_261 = tpu.sem_alloc : memref<!tpu.dma_semaphore, #tpu.memory_space<semaphore_mem>>
        %dma_start3A_262 = arith.constant 0 : i32
        %dma_start3A_263 = tpu.memref_slice %arg8[%run_scoped3A_224, %run_scoped3A_225, %dma_start3A_262] : memref<2x8x128xi32, #tpu.memory_space<vmem>> -> memref<1x1x128xi32, #tpu.memory_space<vmem>>
        %dma_start3A_264 = tpu.memref_squeeze %dma_start3A_263 : memref<1x1x128xi32, #tpu.memory_space<vmem>> -> memref<128xi32, #tpu.memory_space<vmem>>
        %dma_start3A_265 = arith.constant 0 : i32
        %dma_start3A_266 = arith.constant 0 : i32
        %dma_start3A_267 = tpu.memref_slice %arg10[%dma_start3A_265, %dma_start3A_266] : memref<10112x128xf32, #tpu.memory_space<vmem_shared>> -> memref<10112x128xf32, #tpu.memory_space<vmem_shared>>
        tpu.enqueue_indirect_dma source(%arg9 : memref<128x128xf32, #tpu.memory_space<vmem>>) target(%dma_start3A_267 : memref<10112x128xf32, #tpu.memory_space<vmem_shared>>) offsets(%dma_start3A_264 : memref<128xi32, #tpu.memory_space<vmem>>) semaphore(%run_scoped3A_261 : memref<!tpu.dma_semaphore, #tpu.memory_space<semaphore_mem>>) {add = true}
        %dma_wait3A_268 = arith.constant 0 : i32
        %dma_wait3A_269 = tpu.memref_slice %arg8[%run_scoped3A_224, %run_scoped3A_225, %dma_wait3A_268] : memref<2x8x128xi32, #tpu.memory_space<vmem>> -> memref<1x1x128xi32, #tpu.memory_space<vmem>>
        %dma_wait3A_270 = tpu.memref_squeeze %dma_wait3A_269 : memref<1x1x128xi32, #tpu.memory_space<vmem>> -> memref<128xi32, #tpu.memory_space<vmem>>
        %dma_wait3A_271 = arith.constant 0 : i32
        %dma_wait3A_272 = arith.constant 0 : i32
        %dma_wait3A_273 = tpu.memref_slice %arg10[%dma_wait3A_271, %dma_wait3A_272] : memref<10112x128xf32, #tpu.memory_space<vmem_shared>> -> memref<10112x128xf32, #tpu.memory_space<vmem_shared>>
        tpu.wait_indirect_dma semaphore(%run_scoped3A_261 : memref<!tpu.dma_semaphore, #tpu.memory_space<semaphore_mem>>) src(%arg9 : memref<128x128xf32, #tpu.memory_space<vmem>>) dst(%dma_wait3A_273 : memref<10112x128xf32, #tpu.memory_space<vmem_shared>>)
        tpu.yield
      }) : () -> ()
      %run_scoped3A_226 = arith.constant 1 : i32
      %run_scoped3A_227 = arith.constant 1 : i32
      "tpu.region"() ({
        %run_scoped3A_261 = tpu.sem_alloc : memref<!tpu.dma_semaphore, #tpu.memory_space<semaphore_mem>>
        %dma_start3A_262 = arith.constant 0 : i32
        %dma_start3A_263 = tpu.memref_slice %arg7[%run_scoped3A_226, %run_scoped3A_227, %dma_start3A_262] : memref<2x8x128xi32, #tpu.memory_space<vmem>> -> memref<1x1x128xi32, #tpu.memory_space<vmem>>
        %dma_start3A_264 = tpu.memref_squeeze %dma_start3A_263 : memref<1x1x128xi32, #tpu.memory_space<vmem>> -> memref<128xi32, #tpu.memory_space<vmem>>
        %dma_start3A_265 = arith.constant 0 : i32
        %dma_start3A_266 = arith.constant 0 : i32
        %dma_start3A_267 = tpu.memref_slice %arg2[%dma_start3A_265, %dma_start3A_266] : memref<80896x128xf32, #tpu.memory_space<hbm>> -> memref<80896x128xf32, #tpu.memory_space<hbm>>
        tpu.enqueue_indirect_dma source(%dma_start3A_267 : memref<80896x128xf32, #tpu.memory_space<hbm>>) target(%arg9 : memref<128x128xf32, #tpu.memory_space<vmem>>) offsets(%dma_start3A_264 : memref<128xi32, #tpu.memory_space<vmem>>) semaphore(%run_scoped3A_261 : memref<!tpu.dma_semaphore, #tpu.memory_space<semaphore_mem>>)
        %dma_wait3A_268 = arith.constant 0 : i32
        %dma_wait3A_269 = tpu.memref_slice %arg7[%run_scoped3A_226, %run_scoped3A_227, %dma_wait3A_268] : memref<2x8x128xi32, #tpu.memory_space<vmem>> -> memref<1x1x128xi32, #tpu.memory_space<vmem>>
        %dma_wait3A_270 = tpu.memref_squeeze %dma_wait3A_269 : memref<1x1x128xi32, #tpu.memory_space<vmem>> -> memref<128xi32, #tpu.memory_space<vmem>>
        %dma_wait3A_271 = arith.constant 0 : i32
        %dma_wait3A_272 = arith.constant 0 : i32
        %dma_wait3A_273 = tpu.memref_slice %arg2[%dma_wait3A_271, %dma_wait3A_272] : memref<80896x128xf32, #tpu.memory_space<hbm>> -> memref<80896x128xf32, #tpu.memory_space<hbm>>
        tpu.wait_indirect_dma semaphore(%run_scoped3A_261 : memref<!tpu.dma_semaphore, #tpu.memory_space<semaphore_mem>>) src(%dma_wait3A_273 : memref<80896x128xf32, #tpu.memory_space<hbm>>) dst(%arg9 : memref<128x128xf32, #tpu.memory_space<vmem>>)
        tpu.yield
      }) : () -> ()
      %run_scoped3A_228 = arith.constant 1 : i32
      %run_scoped3A_229 = arith.constant 1 : i32
      "tpu.region"() ({
        %run_scoped3A_261 = tpu.sem_alloc : memref<!tpu.dma_semaphore, #tpu.memory_space<semaphore_mem>>
        %dma_start3A_262 = arith.constant 0 : i32
        %dma_start3A_263 = tpu.memref_slice %arg8[%run_scoped3A_228, %run_scoped3A_229, %dma_start3A_262] : memref<2x8x128xi32, #tpu.memory_space<vmem>> -> memref<1x1x128xi32, #tpu.memory_space<vmem>>
        %dma_start3A_264 = tpu.memref_squeeze %dma_start3A_263 : memref<1x1x128xi32, #tpu.memory_space<vmem>> -> memref<128xi32, #tpu.memory_space<vmem>>
        %dma_start3A_265 = arith.constant 0 : i32
        %dma_start3A_266 = arith.constant 0 : i32
        %dma_start3A_267 = tpu.memref_slice %arg10[%dma_start3A_265, %dma_start3A_266] : memref<10112x128xf32, #tpu.memory_space<vmem_shared>> -> memref<10112x128xf32, #tpu.memory_space<vmem_shared>>
        tpu.enqueue_indirect_dma source(%arg9 : memref<128x128xf32, #tpu.memory_space<vmem>>) target(%dma_start3A_267 : memref<10112x128xf32, #tpu.memory_space<vmem_shared>>) offsets(%dma_start3A_264 : memref<128xi32, #tpu.memory_space<vmem>>) semaphore(%run_scoped3A_261 : memref<!tpu.dma_semaphore, #tpu.memory_space<semaphore_mem>>) {add = true}
        %dma_wait3A_268 = arith.constant 0 : i32
        %dma_wait3A_269 = tpu.memref_slice %arg8[%run_scoped3A_228, %run_scoped3A_229, %dma_wait3A_268] : memref<2x8x128xi32, #tpu.memory_space<vmem>> -> memref<1x1x128xi32, #tpu.memory_space<vmem>>
        %dma_wait3A_270 = tpu.memref_squeeze %dma_wait3A_269 : memref<1x1x128xi32, #tpu.memory_space<vmem>> -> memref<128xi32, #tpu.memory_space<vmem>>
        %dma_wait3A_271 = arith.constant 0 : i32
        %dma_wait3A_272 = arith.constant 0 : i32
        %dma_wait3A_273 = tpu.memref_slice %arg10[%dma_wait3A_271, %dma_wait3A_272] : memref<10112x128xf32, #tpu.memory_space<vmem_shared>> -> memref<10112x128xf32, #tpu.memory_space<vmem_shared>>
        tpu.wait_indirect_dma semaphore(%run_scoped3A_261 : memref<!tpu.dma_semaphore, #tpu.memory_space<semaphore_mem>>) src(%arg9 : memref<128x128xf32, #tpu.memory_space<vmem>>) dst(%dma_wait3A_273 : memref<10112x128xf32, #tpu.memory_space<vmem_shared>>)
        tpu.yield
      }) : () -> ()
      %run_scoped3A_230 = arith.constant 1 : i32
      %run_scoped3A_231 = arith.constant 2 : i32
      "tpu.region"() ({
        %run_scoped3A_261 = tpu.sem_alloc : memref<!tpu.dma_semaphore, #tpu.memory_space<semaphore_mem>>
        %dma_start3A_262 = arith.constant 0 : i32
        %dma_start3A_263 = tpu.memref_slice %arg7[%run_scoped3A_230, %run_scoped3A_231, %dma_start3A_262] : memref<2x8x128xi32, #tpu.memory_space<vmem>> -> memref<1x1x128xi32, #tpu.memory_space<vmem>>
        %dma_start3A_264 = tpu.memref_squeeze %dma_start3A_263 : memref<1x1x128xi32, #tpu.memory_space<vmem>> -> memref<128xi32, #tpu.memory_space<vmem>>
        %dma_start3A_265 = arith.constant 0 : i32
        %dma_start3A_266 = arith.constant 0 : i32
        %dma_start3A_267 = tpu.memref_slice %arg2[%dma_start3A_265, %dma_start3A_266] : memref<80896x128xf32, #tpu.memory_space<hbm>> -> memref<80896x128xf32, #tpu.memory_space<hbm>>
        tpu.enqueue_indirect_dma source(%dma_start3A_267 : memref<80896x128xf32, #tpu.memory_space<hbm>>) target(%arg9 : memref<128x128xf32, #tpu.memory_space<vmem>>) offsets(%dma_start3A_264 : memref<128xi32, #tpu.memory_space<vmem>>) semaphore(%run_scoped3A_261 : memref<!tpu.dma_semaphore, #tpu.memory_space<semaphore_mem>>)
        %dma_wait3A_268 = arith.constant 0 : i32
        %dma_wait3A_269 = tpu.memref_slice %arg7[%run_scoped3A_230, %run_scoped3A_231, %dma_wait3A_268] : memref<2x8x128xi32, #tpu.memory_space<vmem>> -> memref<1x1x128xi32, #tpu.memory_space<vmem>>
        %dma_wait3A_270 = tpu.memref_squeeze %dma_wait3A_269 : memref<1x1x128xi32, #tpu.memory_space<vmem>> -> memref<128xi32, #tpu.memory_space<vmem>>
        %dma_wait3A_271 = arith.constant 0 : i32
        %dma_wait3A_272 = arith.constant 0 : i32
        %dma_wait3A_273 = tpu.memref_slice %arg2[%dma_wait3A_271, %dma_wait3A_272] : memref<80896x128xf32, #tpu.memory_space<hbm>> -> memref<80896x128xf32, #tpu.memory_space<hbm>>
        tpu.wait_indirect_dma semaphore(%run_scoped3A_261 : memref<!tpu.dma_semaphore, #tpu.memory_space<semaphore_mem>>) src(%dma_wait3A_273 : memref<80896x128xf32, #tpu.memory_space<hbm>>) dst(%arg9 : memref<128x128xf32, #tpu.memory_space<vmem>>)
        tpu.yield
      }) : () -> ()
      %run_scoped3A_232 = arith.constant 1 : i32
      %run_scoped3A_233 = arith.constant 2 : i32
      "tpu.region"() ({
        %run_scoped3A_261 = tpu.sem_alloc : memref<!tpu.dma_semaphore, #tpu.memory_space<semaphore_mem>>
        %dma_start3A_262 = arith.constant 0 : i32
        %dma_start3A_263 = tpu.memref_slice %arg8[%run_scoped3A_232, %run_scoped3A_233, %dma_start3A_262] : memref<2x8x128xi32, #tpu.memory_space<vmem>> -> memref<1x1x128xi32, #tpu.memory_space<vmem>>
        %dma_start3A_264 = tpu.memref_squeeze %dma_start3A_263 : memref<1x1x128xi32, #tpu.memory_space<vmem>> -> memref<128xi32, #tpu.memory_space<vmem>>
        %dma_start3A_265 = arith.constant 0 : i32
        %dma_start3A_266 = arith.constant 0 : i32
        %dma_start3A_267 = tpu.memref_slice %arg10[%dma_start3A_265, %dma_start3A_266] : memref<10112x128xf32, #tpu.memory_space<vmem_shared>> -> memref<10112x128xf32, #tpu.memory_space<vmem_shared>>
        tpu.enqueue_indirect_dma source(%arg9 : memref<128x128xf32, #tpu.memory_space<vmem>>) target(%dma_start3A_267 : memref<10112x128xf32, #tpu.memory_space<vmem_shared>>) offsets(%dma_start3A_264 : memref<128xi32, #tpu.memory_space<vmem>>) semaphore(%run_scoped3A_261 : memref<!tpu.dma_semaphore, #tpu.memory_space<semaphore_mem>>) {add = true}
        %dma_wait3A_268 = arith.constant 0 : i32
        %dma_wait3A_269 = tpu.memref_slice %arg8[%run_scoped3A_232, %run_scoped3A_233, %dma_wait3A_268] : memref<2x8x128xi32, #tpu.memory_space<vmem>> -> memref<1x1x128xi32, #tpu.memory_space<vmem>>
        %dma_wait3A_270 = tpu.memref_squeeze %dma_wait3A_269 : memref<1x1x128xi32, #tpu.memory_space<vmem>> -> memref<128xi32, #tpu.memory_space<vmem>>
        %dma_wait3A_271 = arith.constant 0 : i32
        %dma_wait3A_272 = arith.constant 0 : i32
        %dma_wait3A_273 = tpu.memref_slice %arg10[%dma_wait3A_271, %dma_wait3A_272] : memref<10112x128xf32, #tpu.memory_space<vmem_shared>> -> memref<10112x128xf32, #tpu.memory_space<vmem_shared>>
        tpu.wait_indirect_dma semaphore(%run_scoped3A_261 : memref<!tpu.dma_semaphore, #tpu.memory_space<semaphore_mem>>) src(%arg9 : memref<128x128xf32, #tpu.memory_space<vmem>>) dst(%dma_wait3A_273 : memref<10112x128xf32, #tpu.memory_space<vmem_shared>>)
        tpu.yield
      }) : () -> ()
      %run_scoped3A_234 = arith.constant 1 : i32
      %run_scoped3A_235 = arith.constant 3 : i32
      "tpu.region"() ({
        %run_scoped3A_261 = tpu.sem_alloc : memref<!tpu.dma_semaphore, #tpu.memory_space<semaphore_mem>>
        %dma_start3A_262 = arith.constant 0 : i32
        %dma_start3A_263 = tpu.memref_slice %arg7[%run_scoped3A_234, %run_scoped3A_235, %dma_start3A_262] : memref<2x8x128xi32, #tpu.memory_space<vmem>> -> memref<1x1x128xi32, #tpu.memory_space<vmem>>
        %dma_start3A_264 = tpu.memref_squeeze %dma_start3A_263 : memref<1x1x128xi32, #tpu.memory_space<vmem>> -> memref<128xi32, #tpu.memory_space<vmem>>
        %dma_start3A_265 = arith.constant 0 : i32
        %dma_start3A_266 = arith.constant 0 : i32
        %dma_start3A_267 = tpu.memref_slice %arg2[%dma_start3A_265, %dma_start3A_266] : memref<80896x128xf32, #tpu.memory_space<hbm>> -> memref<80896x128xf32, #tpu.memory_space<hbm>>
        tpu.enqueue_indirect_dma source(%dma_start3A_267 : memref<80896x128xf32, #tpu.memory_space<hbm>>) target(%arg9 : memref<128x128xf32, #tpu.memory_space<vmem>>) offsets(%dma_start3A_264 : memref<128xi32, #tpu.memory_space<vmem>>) semaphore(%run_scoped3A_261 : memref<!tpu.dma_semaphore, #tpu.memory_space<semaphore_mem>>)
        %dma_wait3A_268 = arith.constant 0 : i32
        %dma_wait3A_269 = tpu.memref_slice %arg7[%run_scoped3A_234, %run_scoped3A_235, %dma_wait3A_268] : memref<2x8x128xi32, #tpu.memory_space<vmem>> -> memref<1x1x128xi32, #tpu.memory_space<vmem>>
        %dma_wait3A_270 = tpu.memref_squeeze %dma_wait3A_269 : memref<1x1x128xi32, #tpu.memory_space<vmem>> -> memref<128xi32, #tpu.memory_space<vmem>>
        %dma_wait3A_271 = arith.constant 0 : i32
        %dma_wait3A_272 = arith.constant 0 : i32
        %dma_wait3A_273 = tpu.memref_slice %arg2[%dma_wait3A_271, %dma_wait3A_272] : memref<80896x128xf32, #tpu.memory_space<hbm>> -> memref<80896x128xf32, #tpu.memory_space<hbm>>
        tpu.wait_indirect_dma semaphore(%run_scoped3A_261 : memref<!tpu.dma_semaphore, #tpu.memory_space<semaphore_mem>>) src(%dma_wait3A_273 : memref<80896x128xf32, #tpu.memory_space<hbm>>) dst(%arg9 : memref<128x128xf32, #tpu.memory_space<vmem>>)
        tpu.yield
      }) : () -> ()
      %run_scoped3A_236 = arith.constant 1 : i32
      %run_scoped3A_237 = arith.constant 3 : i32
      "tpu.region"() ({
        %run_scoped3A_261 = tpu.sem_alloc : memref<!tpu.dma_semaphore, #tpu.memory_space<semaphore_mem>>
        %dma_start3A_262 = arith.constant 0 : i32
        %dma_start3A_263 = tpu.memref_slice %arg8[%run_scoped3A_236, %run_scoped3A_237, %dma_start3A_262] : memref<2x8x128xi32, #tpu.memory_space<vmem>> -> memref<1x1x128xi32, #tpu.memory_space<vmem>>
        %dma_start3A_264 = tpu.memref_squeeze %dma_start3A_263 : memref<1x1x128xi32, #tpu.memory_space<vmem>> -> memref<128xi32, #tpu.memory_space<vmem>>
        %dma_start3A_265 = arith.constant 0 : i32
        %dma_start3A_266 = arith.constant 0 : i32
        %dma_start3A_267 = tpu.memref_slice %arg10[%dma_start3A_265, %dma_start3A_266] : memref<10112x128xf32, #tpu.memory_space<vmem_shared>> -> memref<10112x128xf32, #tpu.memory_space<vmem_shared>>
        tpu.enqueue_indirect_dma source(%arg9 : memref<128x128xf32, #tpu.memory_space<vmem>>) target(%dma_start3A_267 : memref<10112x128xf32, #tpu.memory_space<vmem_shared>>) offsets(%dma_start3A_264 : memref<128xi32, #tpu.memory_space<vmem>>) semaphore(%run_scoped3A_261 : memref<!tpu.dma_semaphore, #tpu.memory_space<semaphore_mem>>) {add = true}
        %dma_wait3A_268 = arith.constant 0 : i32
        %dma_wait3A_269 = tpu.memref_slice %arg8[%run_scoped3A_236, %run_scoped3A_237, %dma_wait3A_268] : memref<2x8x128xi32, #tpu.memory_space<vmem>> -> memref<1x1x128xi32, #tpu.memory_space<vmem>>
        %dma_wait3A_270 = tpu.memref_squeeze %dma_wait3A_269 : memref<1x1x128xi32, #tpu.memory_space<vmem>> -> memref<128xi32, #tpu.memory_space<vmem>>
        %dma_wait3A_271 = arith.constant 0 : i32
        %dma_wait3A_272 = arith.constant 0 : i32
        %dma_wait3A_273 = tpu.memref_slice %arg10[%dma_wait3A_271, %dma_wait3A_272] : memref<10112x128xf32, #tpu.memory_space<vmem_shared>> -> memref<10112x128xf32, #tpu.memory_space<vmem_shared>>
        tpu.wait_indirect_dma semaphore(%run_scoped3A_261 : memref<!tpu.dma_semaphore, #tpu.memory_space<semaphore_mem>>) src(%arg9 : memref<128x128xf32, #tpu.memory_space<vmem>>) dst(%dma_wait3A_273 : memref<10112x128xf32, #tpu.memory_space<vmem_shared>>)
        tpu.yield
      }) : () -> ()
      %run_scoped3A_238 = arith.constant 1 : i32
      %run_scoped3A_239 = arith.constant 4 : i32
      "tpu.region"() ({
        %run_scoped3A_261 = tpu.sem_alloc : memref<!tpu.dma_semaphore, #tpu.memory_space<semaphore_mem>>
        %dma_start3A_262 = arith.constant 0 : i32
        %dma_start3A_263 = tpu.memref_slice %arg7[%run_scoped3A_238, %run_scoped3A_239, %dma_start3A_262] : memref<2x8x128xi32, #tpu.memory_space<vmem>> -> memref<1x1x128xi32, #tpu.memory_space<vmem>>
        %dma_start3A_264 = tpu.memref_squeeze %dma_start3A_263 : memref<1x1x128xi32, #tpu.memory_space<vmem>> -> memref<128xi32, #tpu.memory_space<vmem>>
        %dma_start3A_265 = arith.constant 0 : i32
        %dma_start3A_266 = arith.constant 0 : i32
        %dma_start3A_267 = tpu.memref_slice %arg2[%dma_start3A_265, %dma_start3A_266] : memref<80896x128xf32, #tpu.memory_space<hbm>> -> memref<80896x128xf32, #tpu.memory_space<hbm>>
        tpu.enqueue_indirect_dma source(%dma_start3A_267 : memref<80896x128xf32, #tpu.memory_space<hbm>>) target(%arg9 : memref<128x128xf32, #tpu.memory_space<vmem>>) offsets(%dma_start3A_264 : memref<128xi32, #tpu.memory_space<vmem>>) semaphore(%run_scoped3A_261 : memref<!tpu.dma_semaphore, #tpu.memory_space<semaphore_mem>>)
        %dma_wait3A_268 = arith.constant 0 : i32
        %dma_wait3A_269 = tpu.memref_slice %arg7[%run_scoped3A_238, %run_scoped3A_239, %dma_wait3A_268] : memref<2x8x128xi32, #tpu.memory_space<vmem>> -> memref<1x1x128xi32, #tpu.memory_space<vmem>>
        %dma_wait3A_270 = tpu.memref_squeeze %dma_wait3A_269 : memref<1x1x128xi32, #tpu.memory_space<vmem>> -> memref<128xi32, #tpu.memory_space<vmem>>
        %dma_wait3A_271 = arith.constant 0 : i32
        %dma_wait3A_272 = arith.constant 0 : i32
        %dma_wait3A_273 = tpu.memref_slice %arg2[%dma_wait3A_271, %dma_wait3A_272] : memref<80896x128xf32, #tpu.memory_space<hbm>> -> memref<80896x128xf32, #tpu.memory_space<hbm>>
        tpu.wait_indirect_dma semaphore(%run_scoped3A_261 : memref<!tpu.dma_semaphore, #tpu.memory_space<semaphore_mem>>) src(%dma_wait3A_273 : memref<80896x128xf32, #tpu.memory_space<hbm>>) dst(%arg9 : memref<128x128xf32, #tpu.memory_space<vmem>>)
        tpu.yield
      }) : () -> ()
      %run_scoped3A_240 = arith.constant 1 : i32
      %run_scoped3A_241 = arith.constant 4 : i32
      "tpu.region"() ({
        %run_scoped3A_261 = tpu.sem_alloc : memref<!tpu.dma_semaphore, #tpu.memory_space<semaphore_mem>>
        %dma_start3A_262 = arith.constant 0 : i32
        %dma_start3A_263 = tpu.memref_slice %arg8[%run_scoped3A_240, %run_scoped3A_241, %dma_start3A_262] : memref<2x8x128xi32, #tpu.memory_space<vmem>> -> memref<1x1x128xi32, #tpu.memory_space<vmem>>
        %dma_start3A_264 = tpu.memref_squeeze %dma_start3A_263 : memref<1x1x128xi32, #tpu.memory_space<vmem>> -> memref<128xi32, #tpu.memory_space<vmem>>
        %dma_start3A_265 = arith.constant 0 : i32
        %dma_start3A_266 = arith.constant 0 : i32
        %dma_start3A_267 = tpu.memref_slice %arg10[%dma_start3A_265, %dma_start3A_266] : memref<10112x128xf32, #tpu.memory_space<vmem_shared>> -> memref<10112x128xf32, #tpu.memory_space<vmem_shared>>
        tpu.enqueue_indirect_dma source(%arg9 : memref<128x128xf32, #tpu.memory_space<vmem>>) target(%dma_start3A_267 : memref<10112x128xf32, #tpu.memory_space<vmem_shared>>) offsets(%dma_start3A_264 : memref<128xi32, #tpu.memory_space<vmem>>) semaphore(%run_scoped3A_261 : memref<!tpu.dma_semaphore, #tpu.memory_space<semaphore_mem>>) {add = true}
        %dma_wait3A_268 = arith.constant 0 : i32
        %dma_wait3A_269 = tpu.memref_slice %arg8[%run_scoped3A_240, %run_scoped3A_241, %dma_wait3A_268] : memref<2x8x128xi32, #tpu.memory_space<vmem>> -> memref<1x1x128xi32, #tpu.memory_space<vmem>>
        %dma_wait3A_270 = tpu.memref_squeeze %dma_wait3A_269 : memref<1x1x128xi32, #tpu.memory_space<vmem>> -> memref<128xi32, #tpu.memory_space<vmem>>
        %dma_wait3A_271 = arith.constant 0 : i32
        %dma_wait3A_272 = arith.constant 0 : i32
        %dma_wait3A_273 = tpu.memref_slice %arg10[%dma_wait3A_271, %dma_wait3A_272] : memref<10112x128xf32, #tpu.memory_space<vmem_shared>> -> memref<10112x128xf32, #tpu.memory_space<vmem_shared>>
        tpu.wait_indirect_dma semaphore(%run_scoped3A_261 : memref<!tpu.dma_semaphore, #tpu.memory_space<semaphore_mem>>) src(%arg9 : memref<128x128xf32, #tpu.memory_space<vmem>>) dst(%dma_wait3A_273 : memref<10112x128xf32, #tpu.memory_space<vmem_shared>>)
        tpu.yield
      }) : () -> ()
      %run_scoped3A_242 = arith.constant 1 : i32
      %run_scoped3A_243 = arith.constant 5 : i32
      "tpu.region"() ({
        %run_scoped3A_261 = tpu.sem_alloc : memref<!tpu.dma_semaphore, #tpu.memory_space<semaphore_mem>>
        %dma_start3A_262 = arith.constant 0 : i32
        %dma_start3A_263 = tpu.memref_slice %arg7[%run_scoped3A_242, %run_scoped3A_243, %dma_start3A_262] : memref<2x8x128xi32, #tpu.memory_space<vmem>> -> memref<1x1x128xi32, #tpu.memory_space<vmem>>
        %dma_start3A_264 = tpu.memref_squeeze %dma_start3A_263 : memref<1x1x128xi32, #tpu.memory_space<vmem>> -> memref<128xi32, #tpu.memory_space<vmem>>
        %dma_start3A_265 = arith.constant 0 : i32
        %dma_start3A_266 = arith.constant 0 : i32
        %dma_start3A_267 = tpu.memref_slice %arg2[%dma_start3A_265, %dma_start3A_266] : memref<80896x128xf32, #tpu.memory_space<hbm>> -> memref<80896x128xf32, #tpu.memory_space<hbm>>
        tpu.enqueue_indirect_dma source(%dma_start3A_267 : memref<80896x128xf32, #tpu.memory_space<hbm>>) target(%arg9 : memref<128x128xf32, #tpu.memory_space<vmem>>) offsets(%dma_start3A_264 : memref<128xi32, #tpu.memory_space<vmem>>) semaphore(%run_scoped3A_261 : memref<!tpu.dma_semaphore, #tpu.memory_space<semaphore_mem>>)
        %dma_wait3A_268 = arith.constant 0 : i32
        %dma_wait3A_269 = tpu.memref_slice %arg7[%run_scoped3A_242, %run_scoped3A_243, %dma_wait3A_268] : memref<2x8x128xi32, #tpu.memory_space<vmem>> -> memref<1x1x128xi32, #tpu.memory_space<vmem>>
        %dma_wait3A_270 = tpu.memref_squeeze %dma_wait3A_269 : memref<1x1x128xi32, #tpu.memory_space<vmem>> -> memref<128xi32, #tpu.memory_space<vmem>>
        %dma_wait3A_271 = arith.constant 0 : i32
        %dma_wait3A_272 = arith.constant 0 : i32
        %dma_wait3A_273 = tpu.memref_slice %arg2[%dma_wait3A_271, %dma_wait3A_272] : memref<80896x128xf32, #tpu.memory_space<hbm>> -> memref<80896x128xf32, #tpu.memory_space<hbm>>
        tpu.wait_indirect_dma semaphore(%run_scoped3A_261 : memref<!tpu.dma_semaphore, #tpu.memory_space<semaphore_mem>>) src(%dma_wait3A_273 : memref<80896x128xf32, #tpu.memory_space<hbm>>) dst(%arg9 : memref<128x128xf32, #tpu.memory_space<vmem>>)
        tpu.yield
      }) : () -> ()
      %run_scoped3A_244 = arith.constant 1 : i32
      %run_scoped3A_245 = arith.constant 5 : i32
      "tpu.region"() ({
        %run_scoped3A_261 = tpu.sem_alloc : memref<!tpu.dma_semaphore, #tpu.memory_space<semaphore_mem>>
        %dma_start3A_262 = arith.constant 0 : i32
        %dma_start3A_263 = tpu.memref_slice %arg8[%run_scoped3A_244, %run_scoped3A_245, %dma_start3A_262] : memref<2x8x128xi32, #tpu.memory_space<vmem>> -> memref<1x1x128xi32, #tpu.memory_space<vmem>>
        %dma_start3A_264 = tpu.memref_squeeze %dma_start3A_263 : memref<1x1x128xi32, #tpu.memory_space<vmem>> -> memref<128xi32, #tpu.memory_space<vmem>>
        %dma_start3A_265 = arith.constant 0 : i32
        %dma_start3A_266 = arith.constant 0 : i32
        %dma_start3A_267 = tpu.memref_slice %arg10[%dma_start3A_265, %dma_start3A_266] : memref<10112x128xf32, #tpu.memory_space<vmem_shared>> -> memref<10112x128xf32, #tpu.memory_space<vmem_shared>>
        tpu.enqueue_indirect_dma source(%arg9 : memref<128x128xf32, #tpu.memory_space<vmem>>) target(%dma_start3A_267 : memref<10112x128xf32, #tpu.memory_space<vmem_shared>>) offsets(%dma_start3A_264 : memref<128xi32, #tpu.memory_space<vmem>>) semaphore(%run_scoped3A_261 : memref<!tpu.dma_semaphore, #tpu.memory_space<semaphore_mem>>) {add = true}
        %dma_wait3A_268 = arith.constant 0 : i32
        %dma_wait3A_269 = tpu.memref_slice %arg8[%run_scoped3A_244, %run_scoped3A_245, %dma_wait3A_268] : memref<2x8x128xi32, #tpu.memory_space<vmem>> -> memref<1x1x128xi32, #tpu.memory_space<vmem>>
        %dma_wait3A_270 = tpu.memref_squeeze %dma_wait3A_269 : memref<1x1x128xi32, #tpu.memory_space<vmem>> -> memref<128xi32, #tpu.memory_space<vmem>>
        %dma_wait3A_271 = arith.constant 0 : i32
        %dma_wait3A_272 = arith.constant 0 : i32
        %dma_wait3A_273 = tpu.memref_slice %arg10[%dma_wait3A_271, %dma_wait3A_272] : memref<10112x128xf32, #tpu.memory_space<vmem_shared>> -> memref<10112x128xf32, #tpu.memory_space<vmem_shared>>
        tpu.wait_indirect_dma semaphore(%run_scoped3A_261 : memref<!tpu.dma_semaphore, #tpu.memory_space<semaphore_mem>>) src(%arg9 : memref<128x128xf32, #tpu.memory_space<vmem>>) dst(%dma_wait3A_273 : memref<10112x128xf32, #tpu.memory_space<vmem_shared>>)
        tpu.yield
      }) : () -> ()
      %run_scoped3A_246 = arith.constant 1 : i32
      %run_scoped3A_247 = arith.constant 6 : i32
      "tpu.region"() ({
        %run_scoped3A_261 = tpu.sem_alloc : memref<!tpu.dma_semaphore, #tpu.memory_space<semaphore_mem>>
        %dma_start3A_262 = arith.constant 0 : i32
        %dma_start3A_263 = tpu.memref_slice %arg7[%run_scoped3A_246, %run_scoped3A_247, %dma_start3A_262] : memref<2x8x128xi32, #tpu.memory_space<vmem>> -> memref<1x1x128xi32, #tpu.memory_space<vmem>>
        %dma_start3A_264 = tpu.memref_squeeze %dma_start3A_263 : memref<1x1x128xi32, #tpu.memory_space<vmem>> -> memref<128xi32, #tpu.memory_space<vmem>>
        %dma_start3A_265 = arith.constant 0 : i32
        %dma_start3A_266 = arith.constant 0 : i32
        %dma_start3A_267 = tpu.memref_slice %arg2[%dma_start3A_265, %dma_start3A_266] : memref<80896x128xf32, #tpu.memory_space<hbm>> -> memref<80896x128xf32, #tpu.memory_space<hbm>>
        tpu.enqueue_indirect_dma source(%dma_start3A_267 : memref<80896x128xf32, #tpu.memory_space<hbm>>) target(%arg9 : memref<128x128xf32, #tpu.memory_space<vmem>>) offsets(%dma_start3A_264 : memref<128xi32, #tpu.memory_space<vmem>>) semaphore(%run_scoped3A_261 : memref<!tpu.dma_semaphore, #tpu.memory_space<semaphore_mem>>)
        %dma_wait3A_268 = arith.constant 0 : i32
        %dma_wait3A_269 = tpu.memref_slice %arg7[%run_scoped3A_246, %run_scoped3A_247, %dma_wait3A_268] : memref<2x8x128xi32, #tpu.memory_space<vmem>> -> memref<1x1x128xi32, #tpu.memory_space<vmem>>
        %dma_wait3A_270 = tpu.memref_squeeze %dma_wait3A_269 : memref<1x1x128xi32, #tpu.memory_space<vmem>> -> memref<128xi32, #tpu.memory_space<vmem>>
        %dma_wait3A_271 = arith.constant 0 : i32
        %dma_wait3A_272 = arith.constant 0 : i32
        %dma_wait3A_273 = tpu.memref_slice %arg2[%dma_wait3A_271, %dma_wait3A_272] : memref<80896x128xf32, #tpu.memory_space<hbm>> -> memref<80896x128xf32, #tpu.memory_space<hbm>>
        tpu.wait_indirect_dma semaphore(%run_scoped3A_261 : memref<!tpu.dma_semaphore, #tpu.memory_space<semaphore_mem>>) src(%dma_wait3A_273 : memref<80896x128xf32, #tpu.memory_space<hbm>>) dst(%arg9 : memref<128x128xf32, #tpu.memory_space<vmem>>)
        tpu.yield
      }) : () -> ()
      %run_scoped3A_248 = arith.constant 1 : i32
      %run_scoped3A_249 = arith.constant 6 : i32
      "tpu.region"() ({
        %run_scoped3A_261 = tpu.sem_alloc : memref<!tpu.dma_semaphore, #tpu.memory_space<semaphore_mem>>
        %dma_start3A_262 = arith.constant 0 : i32
        %dma_start3A_263 = tpu.memref_slice %arg8[%run_scoped3A_248, %run_scoped3A_249, %dma_start3A_262] : memref<2x8x128xi32, #tpu.memory_space<vmem>> -> memref<1x1x128xi32, #tpu.memory_space<vmem>>
        %dma_start3A_264 = tpu.memref_squeeze %dma_start3A_263 : memref<1x1x128xi32, #tpu.memory_space<vmem>> -> memref<128xi32, #tpu.memory_space<vmem>>
        %dma_start3A_265 = arith.constant 0 : i32
        %dma_start3A_266 = arith.constant 0 : i32
        %dma_start3A_267 = tpu.memref_slice %arg10[%dma_start3A_265, %dma_start3A_266] : memref<10112x128xf32, #tpu.memory_space<vmem_shared>> -> memref<10112x128xf32, #tpu.memory_space<vmem_shared>>
        tpu.enqueue_indirect_dma source(%arg9 : memref<128x128xf32, #tpu.memory_space<vmem>>) target(%dma_start3A_267 : memref<10112x128xf32, #tpu.memory_space<vmem_shared>>) offsets(%dma_start3A_264 : memref<128xi32, #tpu.memory_space<vmem>>) semaphore(%run_scoped3A_261 : memref<!tpu.dma_semaphore, #tpu.memory_space<semaphore_mem>>) {add = true}
        %dma_wait3A_268 = arith.constant 0 : i32
        %dma_wait3A_269 = tpu.memref_slice %arg8[%run_scoped3A_248, %run_scoped3A_249, %dma_wait3A_268] : memref<2x8x128xi32, #tpu.memory_space<vmem>> -> memref<1x1x128xi32, #tpu.memory_space<vmem>>
        %dma_wait3A_270 = tpu.memref_squeeze %dma_wait3A_269 : memref<1x1x128xi32, #tpu.memory_space<vmem>> -> memref<128xi32, #tpu.memory_space<vmem>>
        %dma_wait3A_271 = arith.constant 0 : i32
        %dma_wait3A_272 = arith.constant 0 : i32
        %dma_wait3A_273 = tpu.memref_slice %arg10[%dma_wait3A_271, %dma_wait3A_272] : memref<10112x128xf32, #tpu.memory_space<vmem_shared>> -> memref<10112x128xf32, #tpu.memory_space<vmem_shared>>
        tpu.wait_indirect_dma semaphore(%run_scoped3A_261 : memref<!tpu.dma_semaphore, #tpu.memory_space<semaphore_mem>>) src(%arg9 : memref<128x128xf32, #tpu.memory_space<vmem>>) dst(%dma_wait3A_273 : memref<10112x128xf32, #tpu.memory_space<vmem_shared>>)
        tpu.yield
      }) : () -> ()
      %run_scoped3A_250 = arith.constant 1 : i32
      %run_scoped3A_251 = arith.constant 7 : i32
      "tpu.region"() ({
        %run_scoped3A_261 = tpu.sem_alloc : memref<!tpu.dma_semaphore, #tpu.memory_space<semaphore_mem>>
        %dma_start3A_262 = arith.constant 0 : i32
        %dma_start3A_263 = tpu.memref_slice %arg7[%run_scoped3A_250, %run_scoped3A_251, %dma_start3A_262] : memref<2x8x128xi32, #tpu.memory_space<vmem>> -> memref<1x1x128xi32, #tpu.memory_space<vmem>>
        %dma_start3A_264 = tpu.memref_squeeze %dma_start3A_263 : memref<1x1x128xi32, #tpu.memory_space<vmem>> -> memref<128xi32, #tpu.memory_space<vmem>>
        %dma_start3A_265 = arith.constant 0 : i32
        %dma_start3A_266 = arith.constant 0 : i32
        %dma_start3A_267 = tpu.memref_slice %arg2[%dma_start3A_265, %dma_start3A_266] : memref<80896x128xf32, #tpu.memory_space<hbm>> -> memref<80896x128xf32, #tpu.memory_space<hbm>>
        tpu.enqueue_indirect_dma source(%dma_start3A_267 : memref<80896x128xf32, #tpu.memory_space<hbm>>) target(%arg9 : memref<128x128xf32, #tpu.memory_space<vmem>>) offsets(%dma_start3A_264 : memref<128xi32, #tpu.memory_space<vmem>>) semaphore(%run_scoped3A_261 : memref<!tpu.dma_semaphore, #tpu.memory_space<semaphore_mem>>)
        %dma_wait3A_268 = arith.constant 0 : i32
        %dma_wait3A_269 = tpu.memref_slice %arg7[%run_scoped3A_250, %run_scoped3A_251, %dma_wait3A_268] : memref<2x8x128xi32, #tpu.memory_space<vmem>> -> memref<1x1x128xi32, #tpu.memory_space<vmem>>
        %dma_wait3A_270 = tpu.memref_squeeze %dma_wait3A_269 : memref<1x1x128xi32, #tpu.memory_space<vmem>> -> memref<128xi32, #tpu.memory_space<vmem>>
        %dma_wait3A_271 = arith.constant 0 : i32
        %dma_wait3A_272 = arith.constant 0 : i32
        %dma_wait3A_273 = tpu.memref_slice %arg2[%dma_wait3A_271, %dma_wait3A_272] : memref<80896x128xf32, #tpu.memory_space<hbm>> -> memref<80896x128xf32, #tpu.memory_space<hbm>>
        tpu.wait_indirect_dma semaphore(%run_scoped3A_261 : memref<!tpu.dma_semaphore, #tpu.memory_space<semaphore_mem>>) src(%dma_wait3A_273 : memref<80896x128xf32, #tpu.memory_space<hbm>>) dst(%arg9 : memref<128x128xf32, #tpu.memory_space<vmem>>)
        tpu.yield
      }) : () -> ()
      %run_scoped3A_252 = arith.constant 1 : i32
      %run_scoped3A_253 = arith.constant 7 : i32
      "tpu.region"() ({
        %run_scoped3A_261 = tpu.sem_alloc : memref<!tpu.dma_semaphore, #tpu.memory_space<semaphore_mem>>
        %dma_start3A_262 = arith.constant 0 : i32
        %dma_start3A_263 = tpu.memref_slice %arg8[%run_scoped3A_252, %run_scoped3A_253, %dma_start3A_262] : memref<2x8x128xi32, #tpu.memory_space<vmem>> -> memref<1x1x128xi32, #tpu.memory_space<vmem>>
        %dma_start3A_264 = tpu.memref_squeeze %dma_start3A_263 : memref<1x1x128xi32, #tpu.memory_space<vmem>> -> memref<128xi32, #tpu.memory_space<vmem>>
        %dma_start3A_265 = arith.constant 0 : i32
        %dma_start3A_266 = arith.constant 0 : i32
        %dma_start3A_267 = tpu.memref_slice %arg10[%dma_start3A_265, %dma_start3A_266] : memref<10112x128xf32, #tpu.memory_space<vmem_shared>> -> memref<10112x128xf32, #tpu.memory_space<vmem_shared>>
        tpu.enqueue_indirect_dma source(%arg9 : memref<128x128xf32, #tpu.memory_space<vmem>>) target(%dma_start3A_267 : memref<10112x128xf32, #tpu.memory_space<vmem_shared>>) offsets(%dma_start3A_264 : memref<128xi32, #tpu.memory_space<vmem>>) semaphore(%run_scoped3A_261 : memref<!tpu.dma_semaphore, #tpu.memory_space<semaphore_mem>>) {add = true}
        %dma_wait3A_268 = arith.constant 0 : i32
        %dma_wait3A_269 = tpu.memref_slice %arg8[%run_scoped3A_252, %run_scoped3A_253, %dma_wait3A_268] : memref<2x8x128xi32, #tpu.memory_space<vmem>> -> memref<1x1x128xi32, #tpu.memory_space<vmem>>
        %dma_wait3A_270 = tpu.memref_squeeze %dma_wait3A_269 : memref<1x1x128xi32, #tpu.memory_space<vmem>> -> memref<128xi32, #tpu.memory_space<vmem>>
        %dma_wait3A_271 = arith.constant 0 : i32
        %dma_wait3A_272 = arith.constant 0 : i32
        %dma_wait3A_273 = tpu.memref_slice %arg10[%dma_wait3A_271, %dma_wait3A_272] : memref<10112x128xf32, #tpu.memory_space<vmem_shared>> -> memref<10112x128xf32, #tpu.memory_space<vmem_shared>>
        tpu.wait_indirect_dma semaphore(%run_scoped3A_261 : memref<!tpu.dma_semaphore, #tpu.memory_space<semaphore_mem>>) src(%arg9 : memref<128x128xf32, #tpu.memory_space<vmem>>) dst(%dma_wait3A_273 : memref<10112x128xf32, #tpu.memory_space<vmem_shared>>)
        tpu.yield
      }) : () -> ()
      %add3A_254 = arith.constant 2 : i32
      %add3A_255 = arith.addi %add3A_177, %add3A_254 : i32
      %lt3A_256 = arith.constant 10 : i32
      %lt3A_257 = arith.cmpi slt, %add3A_255, %lt3A_256 : i32
      %convert_element_type3A_258 = arith.extui %lt3A_257 : i1 to i32
      %cond3A_259 = arith.constant 0 : i32
      %cond3A_260 = arith.cmpi ne, %convert_element_type3A_258, %cond3A_259 : i32
      scf.if %cond3A_260 {
        %add3A_261 = arith.constant 2 : i32
        %add3A_262 = arith.addi %add3A_177, %add3A_261 : i32
        %dma_start3A_263 = arith.constant 1 : i32
        %dma_start3A_264 = arith.constant 1 : i32
        %dma_start3A_265 = arith.constant 0 : i32
        %dma_start3A_266 = arith.constant 0 : i32
        %dma_start3A_267 = tpu.memref_slice %arg7[%dma_start3A_263, %dma_start3A_265, %dma_start3A_266] : memref<2x8x128xi32, #tpu.memory_space<vmem>> -> memref<1x8x128xi32, #tpu.memory_space<vmem>>
        %dma_start3A_268 = tpu.memref_squeeze %dma_start3A_267 : memref<1x8x128xi32, #tpu.memory_space<vmem>> -> memref<8x128xi32, #tpu.memory_space<vmem>>
        %dma_start3A_269 = arith.constant 0 : i32
        %dma_start3A_270 = arith.constant 0 : i32
        %dma_start3A_271 = tpu.memref_slice %arg3[%add3A, %add3A_262, %dma_start3A_269, %dma_start3A_270] : memref<32x10x8x128xi32, #tpu.memory_space<hbm>> -> memref<1x1x8x128xi32, #tpu.memory_space<hbm>>
        %dma_start3A_272 = tpu.memref_squeeze %dma_start3A_271 : memref<1x1x8x128xi32, #tpu.memory_space<hbm>> -> memref<8x128xi32, #tpu.memory_space<hbm>>
        %dma_start3A_273 = tpu.memref_slice %arg11[%dma_start3A_264] : memref<2x!tpu.dma_semaphore, #tpu.memory_space<semaphore_mem>> -> memref<1x!tpu.dma_semaphore, #tpu.memory_space<semaphore_mem>>
        %dma_start3A_274 = tpu.memref_squeeze %dma_start3A_273 : memref<1x!tpu.dma_semaphore, #tpu.memory_space<semaphore_mem>> -> memref<!tpu.dma_semaphore, #tpu.memory_space<semaphore_mem>>
        %dma_start3A_275 = arith.constant 0 : i32
        %dma_start3A_276 = arith.constant 0 : i32
        %dma_start3A_277 = tpu.memref_slice %arg7[%dma_start3A_263, %dma_start3A_275, %dma_start3A_276] : memref<2x8x128xi32, #tpu.memory_space<vmem>> -> memref<1x8x128xi32, #tpu.memory_space<vmem>>
        %dma_start3A_278 = tpu.memref_squeeze %dma_start3A_277 : memref<1x8x128xi32, #tpu.memory_space<vmem>> -> memref<8x128xi32, #tpu.memory_space<vmem>>
        %dma_start3A_279 = arith.constant 0 : i32
        %dma_start3A_280 = arith.constant 0 : i32
        %dma_start3A_281 = tpu.memref_slice %arg3[%add3A, %add3A_262, %dma_start3A_279, %dma_start3A_280] : memref<32x10x8x128xi32, #tpu.memory_space<hbm>> -> memref<1x1x8x128xi32, #tpu.memory_space<hbm>>
        %dma_start3A_282 = tpu.memref_squeeze %dma_start3A_281 : memref<1x1x8x128xi32, #tpu.memory_space<hbm>> -> memref<8x128xi32, #tpu.memory_space<hbm>>
        tpu.enqueue_dma source(%dma_start3A_282 : memref<8x128xi32, #tpu.memory_space<hbm>>) target(%dma_start3A_278 : memref<8x128xi32, #tpu.memory_space<vmem>>) target_semaphore(%dma_start3A_274 : memref<!tpu.dma_semaphore, #tpu.memory_space<semaphore_mem>>)
        %dma_start3A_283 = arith.constant 1 : i32
        %dma_start3A_284 = arith.constant 1 : i32
        %dma_start3A_285 = arith.constant 0 : i32
        %dma_start3A_286 = arith.constant 0 : i32
        %dma_start3A_287 = tpu.memref_slice %arg8[%dma_start3A_283, %dma_start3A_285, %dma_start3A_286] : memref<2x8x128xi32, #tpu.memory_space<vmem>> -> memref<1x8x128xi32, #tpu.memory_space<vmem>>
        %dma_start3A_288 = tpu.memref_squeeze %dma_start3A_287 : memref<1x8x128xi32, #tpu.memory_space<vmem>> -> memref<8x128xi32, #tpu.memory_space<vmem>>
        %dma_start3A_289 = arith.constant 0 : i32
        %dma_start3A_290 = arith.constant 0 : i32
        %dma_start3A_291 = tpu.memref_slice %arg4[%add3A, %add3A_262, %dma_start3A_289, %dma_start3A_290] : memref<32x10x8x128xi32, #tpu.memory_space<hbm>> -> memref<1x1x8x128xi32, #tpu.memory_space<hbm>>
        %dma_start3A_292 = tpu.memref_squeeze %dma_start3A_291 : memref<1x1x8x128xi32, #tpu.memory_space<hbm>> -> memref<8x128xi32, #tpu.memory_space<hbm>>
        %dma_start3A_293 = tpu.memref_slice %arg11[%dma_start3A_284] : memref<2x!tpu.dma_semaphore, #tpu.memory_space<semaphore_mem>> -> memref<1x!tpu.dma_semaphore, #tpu.memory_space<semaphore_mem>>
        %dma_start3A_294 = tpu.memref_squeeze %dma_start3A_293 : memref<1x!tpu.dma_semaphore, #tpu.memory_space<semaphore_mem>> -> memref<!tpu.dma_semaphore, #tpu.memory_space<semaphore_mem>>
        %dma_start3A_295 = arith.constant 0 : i32
        %dma_start3A_296 = arith.constant 0 : i32
        %dma_start3A_297 = tpu.memref_slice %arg8[%dma_start3A_283, %dma_start3A_295, %dma_start3A_296] : memref<2x8x128xi32, #tpu.memory_space<vmem>> -> memref<1x8x128xi32, #tpu.memory_space<vmem>>
        %dma_start3A_298 = tpu.memref_squeeze %dma_start3A_297 : memref<1x8x128xi32, #tpu.memory_space<vmem>> -> memref<8x128xi32, #tpu.memory_space<vmem>>
        %dma_start3A_299 = arith.constant 0 : i32
        %dma_start3A_300 = arith.constant 0 : i32
        %dma_start3A_301 = tpu.memref_slice %arg4[%add3A, %add3A_262, %dma_start3A_299, %dma_start3A_300] : memref<32x10x8x128xi32, #tpu.memory_space<hbm>> -> memref<1x1x8x128xi32, #tpu.memory_space<hbm>>
        %dma_start3A_302 = tpu.memref_squeeze %dma_start3A_301 : memref<1x1x8x128xi32, #tpu.memory_space<hbm>> -> memref<8x128xi32, #tpu.memory_space<hbm>>
        tpu.enqueue_dma source(%dma_start3A_302 : memref<8x128xi32, #tpu.memory_space<hbm>>) target(%dma_start3A_298 : memref<8x128xi32, #tpu.memory_space<vmem>>) target_semaphore(%dma_start3A_294 : memref<!tpu.dma_semaphore, #tpu.memory_space<semaphore_mem>>)
      } else {
      }
    }
    %scan3A_89 = arith.constant 5 : i32
    %barrier3A_90 = arith.constant 0 : index
    tpu.barrier barrier_id(%barrier3A_90)
    "tpu.region"() ({
      %run_scoped3A = tpu.sem_alloc : memref<!tpu.dma_semaphore, #tpu.memory_space<semaphore_mem>>
      %dma_start3A_91 = arith.constant 0 : i32
      %dma_start3A_92 = tpu.memref_slice %arg6[%arg0, %mul3A_2, %dma_start3A_91] : memref<2x10112x128xf32, #tpu.memory_space<hbm>> -> memref<1x632x128xf32, #tpu.memory_space<hbm>>
      %dma_start3A_93 = tpu.memref_squeeze %dma_start3A_92 : memref<1x632x128xf32, #tpu.memory_space<hbm>> -> memref<632x128xf32, #tpu.memory_space<hbm>>
      %dma_start3A_94 = arith.constant 0 : i32
      %dma_start3A_95 = tpu.memref_slice %arg10[%mul3A_2, %dma_start3A_94] : memref<10112x128xf32, #tpu.memory_space<vmem_shared>> -> memref<632x128xf32, #tpu.memory_space<vmem_shared>>
      tpu.enqueue_dma source(%dma_start3A_95 : memref<632x128xf32, #tpu.memory_space<vmem_shared>>) target(%dma_start3A_93 : memref<632x128xf32, #tpu.memory_space<hbm>>) target_semaphore(%run_scoped3A : memref<!tpu.dma_semaphore, #tpu.memory_space<semaphore_mem>>)
      %dma_wait3A = arith.constant 0 : i32
      %dma_wait3A_96 = tpu.memref_slice %arg6[%arg0, %mul3A_2, %dma_wait3A] : memref<2x10112x128xf32, #tpu.memory_space<hbm>> -> memref<1x632x128xf32, #tpu.memory_space<hbm>>
      %dma_wait3A_97 = tpu.memref_squeeze %dma_wait3A_96 : memref<1x632x128xf32, #tpu.memory_space<hbm>> -> memref<632x128xf32, #tpu.memory_space<hbm>>
      %dma_wait3A_98 = arith.constant 0 : i32
      %dma_wait3A_99 = tpu.memref_slice %arg10[%mul3A_2, %dma_wait3A_98] : memref<10112x128xf32, #tpu.memory_space<vmem_shared>> -> memref<632x128xf32, #tpu.memory_space<vmem_shared>>
      tpu.wait_dma2 semaphore(%run_scoped3A : memref<!tpu.dma_semaphore, #tpu.memory_space<semaphore_mem>>) src(%dma_wait3A_99 : memref<632x128xf32, #tpu.memory_space<vmem_shared>>) dst(%dma_wait3A_97 : memref<632x128xf32, #tpu.memory_space<hbm>>)
      tpu.yield
    }) : () -> ()
    return
  }
}

module attributes {stable_mosaic.version = 14 : i64} {
  func.func @_proj_body(%arg0: i32, %arg1: memref<10112x128xf32, #tpu.memory_space<vmem>>, %arg2: memref<1x128x128xf32, #tpu.memory_space<vmem>>, %arg3: memref<1x10112x128xf32, #tpu.memory_space<vmem>>) attributes {dimension_semantics = [#tpu.dimension_semantics<arbitrary>], iteration_bounds = array<i64: 8>, scalar_prefetch = 0 : i64, scratch_operands = 0 : i64, tpu.core_type = #tpu.core_type<tc>, window_params = [{pipeline_mode = #tpu.pipeline_mode<synchronous>, transform_indices = @transform_0, window_bounds = array<i64: 10112, 128>}, {transform_indices = @transform_1, window_bounds = array<i64: 1, 128, 128>}, {transform_indices = @transform_2, window_bounds = array<i64: 1, 10112, 128>}]} {
    %get3A = arith.constant 0 : index
    %get3A_0 = arith.constant 0 : index
    %get3A_1 = vector.load %arg1[%get3A, %get3A_0] : memref<10112x128xf32, #tpu.memory_space<vmem>>, vector<10112x128xf32>
    %get3A_2 = arith.constant 0 : index
    %get3A_3 = arith.constant 0 : index
    %get3A_4 = arith.constant 0 : index
    %get3A_5 = vector.load %arg2[%get3A_2, %get3A_3, %get3A_4] : memref<1x128x128xf32, #tpu.memory_space<vmem>>, vector<1x128x128xf32>
    %get3A_6 = vector.shape_cast %get3A_5 : vector<1x128x128xf32> to vector<128x128xf32>
    %dot_general3A = arith.constant dense<0.000000e+00> : vector<10112x128xf32>
    %dot_general3A_7 = tpu.matmul %get3A_1, %get3A_6, %dot_general3A {dimension_numbers = #tpu.dot_dimension_numbers<[1], [1], [0], [0], [0, 0, 1, 0], [], []>, transpose_lhs_hint = false} : vector<10112x128xf32>, vector<128x128xf32>, vector<10112x128xf32> -> vector<10112x128xf32>
    %swap3A = arith.constant 0 : index
    %swap3A_8 = arith.constant 0 : index
    %swap3A_9 = arith.constant 0 : index
    %swap3A_10 = vector.load %arg3[%swap3A, %swap3A_8, %swap3A_9] : memref<1x10112x128xf32, #tpu.memory_space<vmem>>, vector<1x10112x128xf32>
    %swap3A_11 = vector.shape_cast %swap3A_10 : vector<1x10112x128xf32> to vector<10112x128xf32>
    %swap3A_12 = vector.shape_cast %dot_general3A_7 : vector<10112x128xf32> to vector<1x10112x128xf32>
    tpu.vector_store %arg3[%swap3A, %swap3A_8, %swap3A_9], %swap3A_12 {strides = array<i32>} : memref<1x10112x128xf32, #tpu.memory_space<vmem>>, vector<1x10112x128xf32>,
    return
  }
  func.func @transform_0(%arg0: i32) -> (i32, i32) {
    %c0_i32 = arith.constant 0 : i32
    %c0_i32_0 = arith.constant 0 : i32
    %c0_i32_1 = arith.constant 0 : i32
    return %c0_i32, %c0_i32_0 : i32, i32
  }
  func.func @transform_1(%arg0: i32) -> (i32, i32, i32) {
    %c0_i32 = arith.constant 0 : i32
    %c0_i32_0 = arith.constant 0 : i32
    %c0_i32_1 = arith.constant 0 : i32
    return %arg0, %c0_i32, %c0_i32_0 : i32, i32, i32
  }
  func.func @transform_2(%arg0: i32) -> (i32, i32, i32) {
    %c0_i32 = arith.constant 0 : i32
    %c0_i32_0 = arith.constant 0 : i32
    %c0_i32_1 = arith.constant 0 : i32
    return %arg0, %c0_i32, %c0_i32_0 : i32, i32, i32
  }
}

module attributes {stable_mosaic.version = 14 : i64} {
  func.func @_combine_body(%arg0: i32, %arg1: memref<2x10112x128xf32, #tpu.memory_space<vmem>>, %arg2: memref<1x10112x128xf32, #tpu.memory_space<vmem>>, %arg3: memref<1x128xf32, #tpu.memory_space<vmem>>, %arg4: memref<10112x128xf32, #tpu.memory_space<vmem>>) attributes {dimension_semantics = [#tpu.dimension_semantics<arbitrary>], iteration_bounds = array<i64: 1>, scalar_prefetch = 0 : i64, scratch_operands = 0 : i64, tpu.core_type = #tpu.core_type<tc>, window_params = [{pipeline_mode = #tpu.pipeline_mode<synchronous>, transform_indices = @transform_0, window_bounds = array<i64: 2, 10112, 128>}, {transform_indices = @transform_1, window_bounds = array<i64: 1, 10112, 128>}, {pipeline_mode = #tpu.pipeline_mode<synchronous>, transform_indices = @transform_2, window_bounds = array<i64: 1, 128>}, {pipeline_mode = #tpu.pipeline_mode<synchronous>, transform_indices = @transform_3, window_bounds = array<i64: 10112, 128>}]} {
    %get3A = arith.constant 0 : index
    %get3A_0 = arith.constant 0 : index
    %get3A_1 = arith.constant 0 : index
    %get3A_2 = vector.load %arg1[%get3A, %get3A_0, %get3A_1] : memref<2x10112x128xf32, #tpu.memory_space<vmem>>, vector<1x10112x128xf32>
    %get3A_3 = vector.shape_cast %get3A_2 : vector<1x10112x128xf32> to vector<10112x128xf32>
    %get3A_4 = arith.constant 1 : index
    %get3A_5 = arith.constant 0 : index
    %get3A_6 = arith.constant 0 : index
    %get3A_7 = vector.load %arg1[%get3A_4, %get3A_5, %get3A_6] : memref<2x10112x128xf32, #tpu.memory_space<vmem>>, vector<1x10112x128xf32>
    %get3A_8 = vector.shape_cast %get3A_7 : vector<1x10112x128xf32> to vector<10112x128xf32>
    %add3A = arith.addf %get3A_3, %get3A_8 : vector<10112x128xf32>
    %get3A_9 = arith.constant 0 : index
    %get3A_10 = arith.constant 0 : index
    %get3A_11 = arith.constant 0 : index
    %get3A_12 = vector.load %arg2[%get3A_9, %get3A_10, %get3A_11] : memref<1x10112x128xf32, #tpu.memory_space<vmem>>, vector<1x10112x128xf32>
    %get3A_13 = vector.shape_cast %get3A_12 : vector<1x10112x128xf32> to vector<10112x128xf32>
    %add3A_14 = arith.addf %add3A, %get3A_13 : vector<10112x128xf32>
    %get3A_15 = arith.constant 0 : index
    %get3A_16 = arith.constant 0 : index
    %get3A_17 = vector.load %arg3[%get3A_15, %get3A_16] : memref<1x128xf32, #tpu.memory_space<vmem>>, vector<1x128xf32>
    %add3A_18 = vector.broadcast %get3A_17 : vector<1x128xf32> to vector<10112x128xf32>
    %add3A_19 = arith.addf %add3A_14, %add3A_18 : vector<10112x128xf32>
    %max3A = arith.constant 0.000000e+00 : f32
    %max3A_20 = vector.broadcast %max3A : f32 to vector<10112x128xf32>
    %max3A_21 = arith.maximumf %add3A_19, %max3A_20 : vector<10112x128xf32>
    %swap3A = arith.constant 0 : index
    %swap3A_22 = arith.constant 0 : index
    %swap3A_23 = vector.load %arg4[%swap3A, %swap3A_22] : memref<10112x128xf32, #tpu.memory_space<vmem>>, vector<10112x128xf32>
    tpu.vector_store %arg4[%swap3A, %swap3A_22], %max3A_21 {strides = array<i32>} : memref<10112x128xf32, #tpu.memory_space<vmem>>, vector<10112x128xf32>,
    return
  }
  func.func @transform_0(%arg0: i32) -> (i32, i32, i32) {
    %c0_i32 = arith.constant 0 : i32
    %c0_i32_0 = arith.constant 0 : i32
    %c0_i32_1 = arith.constant 0 : i32
    %c0_i32_2 = arith.constant 0 : i32
    return %c0_i32, %c0_i32_0, %c0_i32_1 : i32, i32, i32
  }
  func.func @transform_1(%arg0: i32) -> (i32, i32, i32) {
    %c7_i32 = arith.constant 7 : i32
    %c0_i32 = arith.constant 0 : i32
    %c0_i32_0 = arith.constant 0 : i32
    %c0_i32_1 = arith.constant 0 : i32
    return %c7_i32, %c0_i32, %c0_i32_0 : i32, i32, i32
  }
  func.func @transform_2(%arg0: i32) -> (i32, i32) {
    %c0_i32 = arith.constant 0 : i32
    %c0_i32_0 = arith.constant 0 : i32
    %c0_i32_1 = arith.constant 0 : i32
    return %c0_i32, %c0_i32_0 : i32, i32
  }
  func.func @transform_3(%arg0: i32) -> (i32, i32) {
    %c0_i32 = arith.constant 0 : i32
    %c0_i32_0 = arith.constant 0 : i32
    %c0_i32_1 = arith.constant 0 : i32
    return %c0_i32, %c0_i32_0 : i32, i32
  }
}

</mosaic_0001>

<sc_bundles>
// kernel: _run.5.cloned.1.call-start
scs
__scs_entry_jumppad:
0x0: {  	(pc) =	sbr.rel $0x88, $3  }
0x1: {  	(tag) =	ssettag $0x0;
	lr =	simm.s32 $0x1  }
0x2: {  	[smem:$0x3F9C] =	sst lr;
	_ =	strace $0xD0000000  }
0x3: {  	_ = 	snop  }
0x4: {  	_ = 	snop  }
0x5: {  	_ = 	snop  }
0x6: {  	_ = 	snop  }
0x7: {  	_ = 	snop  }
__scs_overlays_trampoline_lowered:
0x8: {  	[smem:$0x3FAB] =	sst s0  }
0x9: {  	[smem:$0x3FAC] =	sst s1  }
0xa: {  	[smem:$0x3FAD] =	sst s2  }
0xb: {  	[smem:$0x3FAE] =	sst s3  }
0xc: {  	[smem:$0x3FAF] =	sst s4  }
0xd: {  	[smem:$0x3FB0] =	sst s5  }
0xe: {  	[smem:$0x3FB1] =	sst s6  }
0xf: {  	[smem:$0x3FB2] =	sst s7  }
0x10: {  	[smem:$0x3FB3] =	sst s8  }
0x11: {  	[smem:$0x3FB4] =	sst s9;
	s0 =	simm.s32 @!p0 $0x0  }
0x12: {  	s1 =	sld [smem:$0x3F9A];
	s0 =	simm.s32 @p0 $0x1  }
0x13: {  	[smem:$0x3FB5] =	sst s0;
	s0 =	simm.s32 @!p1 $0x0  }
0x14: {  	s2 =	sld [smem:$0x3F99];
	s0 =	simm.s32 @p1 $0x1  }
0x15: {  	[smem:$0x3FB6] =	sst s0;
	s0 =	simm.s32 @!p2 $0x0  }
0x16: {  	s3 =	sld [smem:$0x3FDB];
	s0 =	simm.s32 @p2 $0x1  }
0x17: {  	s4 =	simm.s32 $0x1BF5;
	[smem:$0x3FB8] =	sst s0  }
0x18: {  	s0 =	sld [smem:$0x3F9B];
	_ =	swait.ge [sflag:s4], $0x0  }
0x19: {  	s7 =	sld [smem:$0x3F9C]  }
0x1a: {  	s8 =	sadd.s32 $0xFFFFE003, lr  }
0x1b: {  	s9 =	sadd.s32 $0xFFFFFEF7, lr;
	s5 =	simm.s32 $0xFFFFFFFF;
	p2 =	slt.u32 s8, $0xFFFFF086  }
0x1c: {  	p1 =	slt.u32 s9, $0xF7A;
	s5 =	simm.s32 @!p2 $0x0  }
0x1d: {  	s5 =	simm.s32 @p1 $0x1;
	p0 =	seq.s32 s7, s2  }
0x1e: {  	s7 =	smul.u32 @!p0 $0xF7A, s2;
	p2 =	seq.s32 @!p0 s5, $0x0  }
0x1f: {  	s9 =	smul.u32 $0xF7A, s1;
	s8 =	simm.s32 @!p0 $0x1BF5;
	p2 =	por !p2, p0  }
0x20: {  	[sflag:s8] =	ssyncset.s32 @!p0 $0xFFFFF086;
	s6 =	sadd.s32 @!p0 s3, s7;
	s7 =	simm.s32 @!p0 $0x108  }
0x21: {  	s3 =	sadd.s32 s3, s9;
	s6 =	sadd.s32 @!p0 $0x88, s6;
	s7 =	simm.s32 @p2 $0x1082  }
0x22: {  	[simem:s7], [sflag:s8] =	dma.local @!p0 [hbm:s6], $0xF7A  }
0x23: {  	s9 =	sor.u32 $0xD0000000, s2;
	s6 =	simm.s32 $0x108;
	_ =	swait.ge @!p0 [sflag:s8], $0x0  }
0x24: {  	s3 =	sadd.s32 $0x88, s3;
	s6 =	simm.s32 @!p1 $0x1082;
	[sflag:s4] =	ssyncset.s32 $0xFFFFF086  }
0x25: {  	[simem:s6], [sflag:s4] =	dma.local [hbm:s3], $0xF7A  }
0x26: {  	[smem:$0x3F9C] =	sst s1;
	(tag) =	ssettag s2;
	_ =	strace s9  }
0x27: {  	s1 =	sld [smem:$0x3FAC]  }
0x28: {  	s2 =	sld [smem:$0x3FAD]  }
0x29: {  	s4 =	sld [smem:$0x3FAF]  }
0x2a: {  	p0 =	seq.s32 s5, $0x0;
	s5 =	sld [smem:$0x3FB0]  }
0x2b: {  	s6 =	sld [smem:$0x3FB1]  }
0x2c: {  	s7 =	sld [smem:$0x3FB2]  }
0x2d: {  	s3 =	simm.s32 $0x108;
	s8 =	sld [smem:$0x3FB3]  }
0x2e: {  	s3 =	simm.s32 @!p0 $0x1082;
	s9 =	sld [smem:$0x3FB4]  }
0x2f: {  	lr =	sadd.s32 s0, s3;
	s0 =	sld [smem:$0x3FAB]  }
0x30: {  	s3 =	sld [smem:$0x3FAE]  }
0x31: {  	[smem:$0x3FB7] =	sst s10  }
0x32: {  	s10 =	sld [smem:$0x3FB5];
	_ =	sdelay $0x3  }
0x33: {  	p0 =	seq.s32 s10, $0x1;
	s10 =	sld [smem:$0x3FB7];
	_ =	sdelay $0x3  }
0x34: {  	[smem:$0x3FB7] =	sst s10  }
0x35: {  	s10 =	sld [smem:$0x3FB6];
	_ =	sdelay $0x3  }
0x36: {  	p1 =	seq.s32 s10, $0x1;
	s10 =	sld [smem:$0x3FB7];
	_ =	sdelay $0x3  }
0x37: {  	[smem:$0x3FB7] =	sst s10  }
0x38: {  	s10 =	sld [smem:$0x3FB8]  }
0x39: {  	_ = 	snop;
	(pc) =	sbr.ind lr, $3  }
0x3a: {  	_ = 	snop  }
0x3b: {  	_ = 	snop  }
0x3c: {  	p2 =	seq.s32 s10, $0x1;
	s10 =	sld [smem:$0x3FB7]  }
0x3d: {  	_ =	shalt  }
0x3e: {  	_ =	shalt  }
0x3f: {  	_ =	shalt  }
0x40: {  	_ =	shalt  }
0x41: {  	_ =	shalt  }
0x42: {  	_ =	shalt  }
0x43: {  	_ =	shalt  }
0x44: {  	_ =	shalt  }
0x45: {  	_ =	shalt  }
0x46: {  	_ =	shalt  }
0x47: {  	_ =	shalt  }
0x48: {  	_ =	shalt  }
0x49: {  	_ =	shalt  }
0x4a: {  	_ =	shalt  }
0x4b: {  	_ =	shalt  }
0x4c: {  	_ =	shalt  }
0x4d: {  	_ =	shalt  }
0x4e: {  	_ =	shalt  }
0x4f: {  	_ =	shalt  }
0x50: {  	_ =	shalt  }
0x51: {  	_ =	shalt  }
0x52: {  	_ =	shalt  }
0x53: {  	_ =	shalt  }
0x54: {  	_ =	shalt  }
0x55: {  	_ =	shalt  }
0x56: {  	_ =	shalt  }
0x57: {  	_ =	shalt  }
0x58: {  	_ =	shalt  }
0x59: {  	_ =	shalt  }
0x5a: {  	_ =	shalt  }
0x5b: {  	_ =	shalt  }
0x5c: {  	_ =	shalt  }
0x5d: {  	_ =	shalt  }
0x5e: {  	_ =	shalt  }
0x5f: {  	_ =	shalt  }
0x60: {  	_ =	shalt  }
0x61: {  	_ =	shalt  }
0x62: {  	_ =	shalt  }
0x63: {  	_ =	shalt  }
0x64: {  	_ =	shalt  }
0x65: {  	_ =	shalt  }
0x66: {  	_ =	shalt  }
0x67: {  	_ =	shalt  }
0x68: {  	_ =	shalt  }
0x69: {  	_ =	shalt  }
0x6a: {  	_ =	shalt  }
0x6b: {  	_ =	shalt  }
0x6c: {  	_ =	shalt  }
0x6d: {  	_ =	shalt  }
0x6e: {  	_ =	shalt  }
0x6f: {  	_ =	shalt  }
0x70: {  	_ =	shalt  }
0x71: {  	_ =	shalt  }
0x72: {  	_ =	shalt  }
0x73: {  	_ =	shalt  }
0x74: {  	_ =	shalt  }
0x75: {  	_ =	shalt  }
0x76: {  	_ =	shalt  }
0x77: {  	_ =	shalt  }
0x78: {  	_ =	shalt  }
0x79: {  	_ =	shalt  }
0x7a: {  	_ =	shalt  }
0x7b: {  	_ =	shalt  }
0x7c: {  	_ =	shalt  }
0x7d: {  	_ =	shalt  }
0x7e: {  	_ =	shalt  }
0x7f: {  	_ =	shalt  }
0x80: {  	_ =	shalt  }
0x81: {  	_ =	shalt  }
0x82: {  	_ =	shalt  }
0x83: {  	_ =	shalt  }
0x84: {  	_ =	shalt  }
0x85: {  	_ =	shalt  }
0x86: {  	_ =	shalt  }
0x87: {  	_ =	shalt  }
.Lfunc_end0:
.L_simem_size_0:
called_computation_lowered:
.L_overlay_start_0:
0x88: {  	s2 =	sld [smem:$0x3FD9]  }
0x89: {  	s3 =	sld [smem:$0x3FFE];
	_ =	sdelay $0x1  }
0x8a: {  	s1 =	srdreg.scid  }
0x8b: {  	s0 =	sand.u32 $0x1, s1  }
0x8c: {  	s17 =	sshll.u32 s0, $0xA;
	s2 =	sadd.s32 s3, s2  }
0x8d: {  	s2 =	sadd.s32 s2, s17  }
0x8e: {  	[smem:$0x3FC3] =	sst s2  }
0x8f: {  	_ = 	snop  }
0x90: {  	s2 =	sld [smem:$0x3FC7]  }
0x91: {  	s18 =	sld [smem:$0x3FC6]  }
0x92: {  	s4 =	sld [smem:$0x3FD0];
	(tm) =	ssettm $0x1  }
0x93: {  	s5 =	sld [smem:$0x3FFB];
	_ =	sdelay $0x3  }
0x94: {  	_ =	strace s5  }
0x95: {  	s5 =	sld [smem:$0x3FFC];
	_ =	sdelay $0x3  }
0x96: {  	_ =	strace s5  }
0x97: {  	s5 =	sld [smem:$0x3FFD];
	_ =	sdelay $0x3  }
0x98: {  	_ =	strace s5  }
0x99: {  	_ =	strace $0x8FFFFFFF  }
0x9a: {  	s19 =	sld [smem:$0x3FDB];
	_ =	sdelay $0x1  }
0x9b: {  	s6 =	simm.s32 $_scs_section_size  }
0x9c: {  	s7 =	simm.s32 $_size__tile_overlayer_lowered;
	s8 =	simm.s32 $_tile_overlayer_lowered  }
0x9d: {  	s22 =	simm.s32 $0x1BFF;
	s21 =	sshll.u32 s8, $0x1;
	s5 =	sadd.s32 s6, s19  }
0x9e: {  	s9 =	simm.s32 $0x0;
	s20 =	sshll.u32 s7, $0x1;
	s7 =	sadd.s32 s21, s5  }
0x9f: {  	[timem:s9], [sflag:s22] =	dma.local [hbm:s7], s20  }
0xa0: {  	_ =	swait.ge [sflag:s22], s20  }
0xa1: {  	s6 =	ssub.s32 $0x0, s20;
	[sflag:s22] =	ssyncset.done $0x0  }
0xa2: {  	[sflag:s22] =	ssyncadd.s32 s6;
	_ =	sdelay $0x1  }
0xa3: {  	s23 =	simm.s32 $0x1B8B  }
0xa4: {  	_ =	swait.ge [sflag:s23], $0x1  }
0xa5: {  	[sflag:s23] =	ssyncset.done $0x0  }
0xa6: {  	s25 =	simm.s32 $0x1B8E;
	s24 =	sld [smem:$0x3FFE];
	[sflag:s23] =	ssyncadd.s32 $0xFFFFFFFF  }
0xa7: {  	s26 =	simm.s32 $execute0_lowered;
	[smem:$0x3FD2] =	sst s25  }
0xa8: {  	s7 =	sshll.u32 s26, $0x1;
	_ =	strace $0x80000046;
	[dreg:$0x1] =	wrdreg $0xFFFFFFFF  }
0xa9: {  	s28 =	simm.s32 $_size_execute0_lowered;
	s5 =	sadd.s32 s5, s7;
	[dreg:$0x0] =	wrdreg $0x0  }
0xaa: {  	s7 =	sshll.u32 s28, $0x1;
	[dreg:$0x2] =	wrdreg s5  }
0xab: {  	[dreg:$0x3] =	wrdreg s7  }
0xac: {  	[dreg:$0x4] =	wrdreg $0xC0  }
0xad: {  	_ =	task [dreg:s9], $0x5FFFF  }
0xae: {  	[dreg:$0x1] =	wrdreg $0xFFFFFFFF  }
0xaf: {  	[dreg:$0x0] =	wrdreg $0x60  }
0xb0: {  	[dreg:$0x2] =	wrdreg s24  }
0xb1: {  	[dreg:$0x3] =	wrdreg s2  }
0xb2: {  	[dreg:$0x4] =	wrdreg s18  }
0xb3: {  	[dreg:$0x5] =	wrdreg s4  }
0xb4: {  	[dreg:$0x6] =	wrdreg $0x50000  }
0xb5: {  	[dreg:$0x7] =	wrdreg $0x9  }
0xb6: {  	_ =	task.clear_ibuf [dreg:s9], $0x8FFFF;
	_ =	strace $0x90000046  }
0xb7: {  	s29 =	simm.s32 $0x9;
	_ =	strace $0x80000048  }
0xb8: {  	_ =	swait.ge [sflag:s29], $0x1  }
0xb9: {  	[sflag:s29] =	ssyncadd.s32 $0xFFFFFFFF  }
0xba: {  	_ =	strace $0x90000048  }
0xbb: {  	_ =	sfence  }
0xbc: {  	s30 =	sld [smem:$0x0];
	_ =	sdelay $0x2  }
0xbd: {  	s31 =	sshll.u32 s1, $0xD;
	s1 =	sshrl.u32 s1, $0x2  }
0xbe: {  	s3 =	sand.u32 $0x4000, s31;
	s1 =	sadd.s32 s1, s30  }
0xbf: {  	s0 =	sor.u32 s3, s0;
	s1 =	sshll.u32 s1, $0x11  }
0xc0: {  	s0 =	sor.u32 s1, s0  }
0xc1: {  	s0 =	sadd.s32 $0x8F2B, s0  }
0xc2: {  	[sflag:s0] =	ssyncadd.remote.s32 $0x1  }
0xc3: {  	_ =	sfence.sel $0xFFFF  }
0xc4: {  	[dreg:$0x0] =	wrdreg $0xFFFFFFFF;
	(pc) =	sbr.abs _section_cstart, $3  }
0xc5: {  	[dreg:$0x1] =	wrdreg $0xFFFFFFFF  }
0xc6: {  	_ =	task.clear_ibuf [dreg:s9], $0x2FFFF;
	_ =	strace $0x9FFFFFFF  }
0xc7: {  	(tm) =	ssettm $0x7FFFFFFF  }
tec
execute0_lowered:
.L_overlay_start_1:
0x0: {  	(tag) =	ssettag $0x1  }
0x1: {  	s0 =	rddreg [dreg:$0x0]  }
0x2: {  	s10 =	rddreg [dreg:$0x1]  }
0x3: {  	s11 =	rddreg [dreg:$0x2]  }
0x4: {  	s4 =	rddreg [dreg:$0x4]  }
0x5: {  	s1 =	srdreg.scid;
	s6 =	simm.s32 $0x0;
	s9 =	stileid.u32  }
0x6: {  	s14 =	simm.s32 $0x2;
	s28 =	simm.s32 $0x600;
	s3 =	smul.u32 $0x13C00, s9  }
0x7: {  	s29 =	simm.s32 $0x680;
	s30 =	simm.s32 $0xE80;
	s17 =	smul.u32 $0x4F000, s9  }
0x8: {  	s31 =	simm.s32 $0x700;
	s1 =	sand.u32 $0x1, s1;
	s19 =	smul.u32 $0x2800, s9  }
0x9: {  	[smem:$0x7FF] =	sst s6;
	s7 =	sadd.s32 $0xA00, s0;
	s2 =	smul.u32 $0x13C000, s1  }
0xa: {  	_ =	strace $0x80000047;
	s5 =	sshll.u32 s1, $0x4;
	s8 =	ssub.s32 $0x2, s1  }
0xb: {  	s1 =	smul.u32 $0x28000, s1;
	s16 =	sor.u32 s9, s5;
	s18 =	sshrl.u32 s8, $0x1  }
0xc: {  	s5 =	sshrl.u32 s17, $0x2;
	s9 =	sshll.u32 s9, $0x6;
	s17 =	simm.s32 $0x480  }
0xd: {  	s2 =	sadd.s32 s3, s2;
	s3 =	smul.u32 $0x2800, s16;
	s5 =	sadd.s32 s5, s4  }
0xe: {  	s12 =	sor.u32 $0x1C03, s9;
	s1 =	sadd.s32 s19, s1;
	s19 =	simm.s32 $0x3  }
0xf: {  	s2 =	sshrl.u32 s2, $0x3;
	s22 =	sadd.s32 $0xC00, s1;
	s26 =	sadd.s32 $0x800, s1  }
0x10: {  	s1 =	simm.s32 $0xD00;
	[dreg:$0x6] =	wrdreg s12;
	s0 =	sadd.s32 s2, s0  }
0x11: {  	s2 =	ssub.s32 s8, s18;
	s3 =	sshrl.u32 s3, $0x3;
	s24 =	sshrl.u32 s22, $0x3  }
0x12: {  	[dreg:$0xd] =	wrdreg s26;
	s22 =	simm.s32 $0xC00;
	s8 =	simm.s32 $0xC80  }
0x13: {  	s18 =	simm.s32 $0x500;
	s26 =	simm.s32 $0xD80;
	s20 =	sadd.s32 s10, s3  }
0x14: {  	s21 =	sadd.s32 s11, s3;
	s3 =	sor.u32 $0x80, s3;
	s0 =	sadd.s32 $0x13CA00, s0  }
0x15: {  	s25 =	smax.u32 s2, $0x1;
	s15 =	sadd.s32 s24, s11;
	[dreg:$0x7] =	wrdreg s20  }
0x16: {  	s16 =	sadd.s32 s24, s10;
	s24 =	simm.s32 $0x80;
	[dreg:$0x8] =	wrdreg s21  }
0x17: {  	s2 =	simm.s32 $0x580;
	s23 =	sadd.s32 s10, s3;
	[dreg:$0xb] =	wrdreg s0  }
.Ltmp0:
0x18: {  	s3 =	sadd.s32 s11, s3;
	[dreg:$0xc] =	wrdreg s25;
	(pc) =	sbr.rel .LBB2_1-.Ltmp0, $4  }
0x19: {  	s10 =	sshrl.u32 s5, $0x3;
	s21 =	simm.s32 $0x400;
	s25 =	simm.s32 $0x1000  }
0x1a: {  	s20 =	simm.s32 $0xE00;
	s0 =	simm.s32 $0xF00;
	[dreg:$0x9] =	wrdreg s23  }
0x1b: {  	s5 =	simm.s32 $0x780;
	s11 =	simm.s32 $0x0;
	[dreg:$0xa] =	wrdreg s3  }
0x1c: {  	s23 =	simm.s32 $0x1;
	s3 =	simm.s32 $0xF80;
	[dreg:$0xe] =	wrdreg s10  }
.LBB2_4:
0x1d: {  	[bflag:$0x0] =	sbarrier.arrive $0xFFFF  }
0x1e: {  	s12 =	rddreg [dreg:$0x6]  }
0x1f: {  	s9 =	rddreg [dreg:$0xb]  }
0x20: {  	s10 =	rddreg [dreg:$0xe]  }
0x21: {  	[hbm:s9], [sflag:s12] =	dma.local [spmem:s10], $0x2780  }
0x22: {  	_ =	swait.ge [sflag:s19], $0x2780  }
0x23: {  	s11 =	rddreg [dreg:$0xf]  }
0x24: {  	s13 =	rddreg [dreg:$0xc];
	s11 =	sadd.s32 $0x1, s11  }
0x25: {  	p0 =	sne.s32 s11, s13  }
.Ltmp1:
0x26: {  	_ = 	snop;
	(pc) =	sbr.rel @!p0 .LBB2_5-.Ltmp1, $3  }
0x27: {  	_ =	sdelay $0x1  }
0x28: {  	[sflag:s19] =	ssyncset.done $0x0  }
0x29: {  	[sflag:s19] =	ssyncadd.s32 $0xFFFFD880  }
.LBB2_1:
0x2a: {  	[dreg:$0xf] =	wrdreg s11  }
0x2b: {  	s9 =	rddreg [dreg:$0x3]  }
0x2c: {  	[spmem:s10], [sflag:s12] =	dma.local [hbm:s9], $0x2780  }
0x2d: {  	_ =	swait.ge [sflag:s19], $0x2780  }
0x2e: {  	[sflag:s19] =	ssyncset.done $0x0  }
0x2f: {  	[sflag:s19] =	ssyncadd.s32 $0xFFFFD880  }
0x30: {  	[bflag:$0x0] =	sbarrier.arrive $0xFFFF  }
0x31: {  	s13 =	rddreg [dreg:$0x7]  }
0x32: {  	s10 =	rddreg [dreg:$0x8]  }
0x33: {  	[tilespmem:s6], [sflag:$0x1] =	stream.linear.gather [hbm4b:s13+s6], $0x400, $0x38;
	[tilespmem:$0x18C00] =	vst v63  }
0x34: {  	s11 =	simm.s32 $0x800;
	s12 =	rddreg [dreg:$0x9]  }
0x35: {  	[tilespmem:s11], [sflag:$0x1] =	stream.linear.gather [hbm4b:s10+s6], $0x400, $0x38;
	[tilespmem:$0x18C00] =	vst v63  }
0x36: {  	s9 =	rddreg [dreg:$0xd]  }
0x37: {  	[tilespmem:s21], [sflag:$0x2] =	stream.linear.gather [hbm4b:s12+s6], $0x400, $0x38;
	[tilespmem:$0x18C00] =	vst v63  }
0x38: {  	s13 =	rddreg [dreg:$0xa];
	s10 =	simm.s32 $0x0  }
0x39: {  	[tilespmem:s22], [sflag:$0x2] =	stream.linear.gather [hbm4b:s13+s6], $0x400, $0x38;
	[tilespmem:$0x18C00] =	vst v63  }
.LBB2_2:
0x3a: {  	_ =	swait.ge [sflag:s23], $0x400  }
0x3b: {  	[sflag:s23] =	ssyncset.done $0x0  }
0x3c: {  	[sflag:s23] =	ssyncadd.s32 $0xFFFFFC00  }
0x3d: {  	_ =	swait.ge [sflag:s23], $0x400  }
0x3e: {  	[sflag:s23] =	ssyncset.done $0x0  }
0x3f: {  	[sflag:s23] =	ssyncadd.s32 $0xFFFFFC00  }
0x40: {  	[tilespmem:s25], [sflag:$0x3] =	stream.indirect.gather [hbm4b:s7+s24], $0x80, s6, s24, $0xb8;
	[tilespmem:$0x18C00] =	vst v63  }
0x41: {  	_ =	swait.ge [sflag:s19], $0x4000  }
0x42: {  	[sflag:s19] =	ssyncset.done $0x0  }
0x43: {  	s11 =	simm.s32 $0x800;
	[sflag:s19] =	ssyncadd.s32 $0xFFFFC000  }
0x44: {  	[spmem:s4] =	stream.indirect.scatter.add.f32 [tilespmem:s25], [sflag:$0x3], $0x80, s11, s24, $0xb8;
	[tilespmem:$0x18C00] =	vst v63  }
0x45: {  	_ =	swait.ge [sflag:s19], $0x4000  }
0x46: {  	[sflag:s19] =	ssyncset.done $0x0  }
0x47: {  	[sflag:s19] =	ssyncadd.s32 $0xFFFFC000  }
0x48: {  	[tilespmem:s25], [sflag:$0x3] =	stream.indirect.gather [hbm4b:s7+s24], $0x80, s24, s24, $0xb8;
	[tilespmem:$0x18C00] =	vst v63  }
0x49: {  	_ =	swait.ge [sflag:s19], $0x4000  }
0x4a: {  	[sflag:s19] =	ssyncset.done $0x0  }
0x4b: {  	s13 =	simm.s32 $0x880;
	[sflag:s19] =	ssyncadd.s32 $0xFFFFC000  }
0x4c: {  	[spmem:s4] =	stream.indirect.scatter.add.f32 [tilespmem:s25], [sflag:$0x3], $0x80, s13, s24, $0xb8;
	[tilespmem:$0x18C00] =	vst v63  }
0x4d: {  	_ =	swait.ge [sflag:s19], $0x4000  }
0x4e: {  	[sflag:s19] =	ssyncset.done $0x0  }
0x4f: {  	s12 =	simm.s32 $0x100;
	[sflag:s19] =	ssyncadd.s32 $0xFFFFC000  }
0x50: {  	[tilespmem:s25], [sflag:$0x3] =	stream.indirect.gather [hbm4b:s7+s24], $0x80, s12, s24, $0xb8;
	[tilespmem:$0x18C00] =	vst v63  }
0x51: {  	_ =	swait.ge [sflag:s19], $0x4000  }
0x52: {  	[sflag:s19] =	ssyncset.done $0x0  }
0x53: {  	s13 =	simm.s32 $0x900;
	[sflag:s19] =	ssyncadd.s32 $0xFFFFC000  }
0x54: {  	[spmem:s4] =	stream.indirect.scatter.add.f32 [tilespmem:s25], [sflag:$0x3], $0x80, s13, s24, $0xb8;
	[tilespmem:$0x18C00] =	vst v63  }
0x55: {  	_ =	swait.ge [sflag:s19], $0x4000  }
0x56: {  	[sflag:s19] =	ssyncset.done $0x0  }
0x57: {  	s12 =	simm.s32 $0x180;
	[sflag:s19] =	ssyncadd.s32 $0xFFFFC000  }
0x58: {  	[tilespmem:s25], [sflag:$0x3] =	stream.indirect.gather [hbm4b:s7+s24], $0x80, s12, s24, $0xb8;
	[tilespmem:$0x18C00] =	vst v63  }
0x59: {  	_ =	swait.ge [sflag:s19], $0x4000  }
0x5a: {  	[sflag:s19] =	ssyncset.done $0x0  }
0x5b: {  	s13 =	simm.s32 $0x980;
	[sflag:s19] =	ssyncadd.s32 $0xFFFFC000  }
0x5c: {  	[spmem:s4] =	stream.indirect.scatter.add.f32 [tilespmem:s25], [sflag:$0x3], $0x80, s13, s24, $0xb8;
	[tilespmem:$0x18C00] =	vst v63  }
0x5d: {  	_ =	swait.ge [sflag:s19], $0x4000  }
0x5e: {  	[sflag:s19] =	ssyncset.done $0x0  }
0x5f: {  	s12 =	simm.s32 $0x200;
	[sflag:s19] =	ssyncadd.s32 $0xFFFFC000  }
0x60: {  	[tilespmem:s25], [sflag:$0x3] =	stream.indirect.gather [hbm4b:s7+s24], $0x80, s12, s24, $0xb8;
	[tilespmem:$0x18C00] =	vst v63  }
0x61: {  	_ =	swait.ge [sflag:s19], $0x4000  }
0x62: {  	[sflag:s19] =	ssyncset.done $0x0  }
0x63: {  	s13 =	simm.s32 $0xA00;
	[sflag:s19] =	ssyncadd.s32 $0xFFFFC000  }
0x64: {  	[spmem:s4] =	stream.indirect.scatter.add.f32 [tilespmem:s25], [sflag:$0x3], $0x80, s13, s24, $0xb8;
	[tilespmem:$0x18C00] =	vst v63  }
0x65: {  	_ =	swait.ge [sflag:s19], $0x4000  }
0x66: {  	[sflag:s19] =	ssyncset.done $0x0  }
0x67: {  	s12 =	simm.s32 $0x280;
	[sflag:s19] =	ssyncadd.s32 $0xFFFFC000  }
0x68: {  	[tilespmem:s25], [sflag:$0x3] =	stream.indirect.gather [hbm4b:s7+s24], $0x80, s12, s24, $0xb8;
	[tilespmem:$0x18C00] =	vst v63  }
0x69: {  	_ =	swait.ge [sflag:s19], $0x4000  }
0x6a: {  	[sflag:s19] =	ssyncset.done $0x0  }
0x6b: {  	s13 =	simm.s32 $0xA80;
	[sflag:s19] =	ssyncadd.s32 $0xFFFFC000  }
0x6c: {  	[spmem:s4] =	stream.indirect.scatter.add.f32 [tilespmem:s25], [sflag:$0x3], $0x80, s13, s24, $0xb8;
	[tilespmem:$0x18C00] =	vst v63  }
0x6d: {  	_ =	swait.ge [sflag:s19], $0x4000  }
0x6e: {  	[sflag:s19] =	ssyncset.done $0x0  }
0x6f: {  	s12 =	simm.s32 $0x300;
	[sflag:s19] =	ssyncadd.s32 $0xFFFFC000  }
0x70: {  	[tilespmem:s25], [sflag:$0x3] =	stream.indirect.gather [hbm4b:s7+s24], $0x80, s12, s24, $0xb8;
	[tilespmem:$0x18C00] =	vst v63  }
0x71: {  	_ =	swait.ge [sflag:s19], $0x4000  }
0x72: {  	[sflag:s19] =	ssyncset.done $0x0  }
0x73: {  	s13 =	simm.s32 $0xB00;
	[sflag:s19] =	ssyncadd.s32 $0xFFFFC000  }
0x74: {  	[spmem:s4] =	stream.indirect.scatter.add.f32 [tilespmem:s25], [sflag:$0x3], $0x80, s13, s24, $0xb8;
	[tilespmem:$0x18C00] =	vst v63  }
0x75: {  	_ =	swait.ge [sflag:s19], $0x4000  }
0x76: {  	[sflag:s19] =	ssyncset.done $0x0  }
0x77: {  	s12 =	simm.s32 $0x380;
	[sflag:s19] =	ssyncadd.s32 $0xFFFFC000  }
0x78: {  	[tilespmem:s25], [sflag:$0x3] =	stream.indirect.gather [hbm4b:s7+s24], $0x80, s12, s24, $0xb8;
	[tilespmem:$0x18C00] =	vst v63  }
0x79: {  	_ =	swait.ge [sflag:s19], $0x4000  }
0x7a: {  	[sflag:s19] =	ssyncset.done $0x0  }
0x7b: {  	s13 =	simm.s32 $0xB80;
	[sflag:s19] =	ssyncadd.s32 $0xFFFFC000  }
0x7c: {  	[spmem:s4] =	stream.indirect.scatter.add.f32 [tilespmem:s25], [sflag:$0x3], $0x80, s13, s24, $0xb8;
	[tilespmem:$0x18C00] =	vst v63  }
0x7d: {  	_ =	swait.ge [sflag:s19], $0x4000  }
0x7e: {  	[sflag:s19] =	ssyncset.done $0x0  }
0x7f: {  	p0 =	seq.s32 s10, $0x400;
	[sflag:s19] =	ssyncadd.s32 $0xFFFFC000  }
0x80: {  	s11 =	sshrl.u32 @!p0 s9, $0x3;
	s12 =	rddreg [dreg:$0x1]  }
0x81: {  	s13 =	simm.s32 @!p0 $0x0;
	s12 =	sadd.s32 @!p0 s12, s11  }
0x82: {  	[tilespmem:s13], [sflag:$0x1] =	stream.linear.gather @!p0 [hbm4b:s12+s13], $0x400, $0x38;
	[tilespmem:$0x18C00] =	vst v63  }
0x83: {  	s12 =	rddreg [dreg:$0x2]  }
0x84: {  	s11 =	sadd.s32 @!p0 s12, s11;
	s12 =	simm.s32 @!p0 $0x800  }
0x85: {  	[tilespmem:s12], [sflag:$0x1] =	stream.linear.gather @!p0 [hbm4b:s11+s13], $0x400, $0x38;
	[tilespmem:$0x18C00] =	vst v63  }
0x86: {  	_ =	swait.ge [sflag:s14], $0x400  }
0x87: {  	[sflag:s14] =	ssyncset.done $0x0  }
0x88: {  	[sflag:s14] =	ssyncadd.s32 $0xFFFFFC00  }
0x89: {  	_ =	swait.ge [sflag:s14], $0x400  }
0x8a: {  	[sflag:s14] =	ssyncset.done $0x0  }
0x8b: {  	[sflag:s14] =	ssyncadd.s32 $0xFFFFFC00  }
0x8c: {  	[tilespmem:s25], [sflag:$0x3] =	stream.indirect.gather [hbm4b:s7+s24], $0x80, s21, s24, $0xb8;
	[tilespmem:$0x18C00] =	vst v63  }
0x8d: {  	_ =	swait.ge [sflag:s19], $0x4000  }
0x8e: {  	[sflag:s19] =	ssyncset.done $0x0  }
0x8f: {  	[sflag:s19] =	ssyncadd.s32 $0xFFFFC000  }
0x90: {  	[spmem:s4] =	stream.indirect.scatter.add.f32 [tilespmem:s25], [sflag:$0x3], $0x80, s22, s24, $0xb8;
	[tilespmem:$0x18C00] =	vst v63  }
0x91: {  	_ =	swait.ge [sflag:s19], $0x4000  }
0x92: {  	[sflag:s19] =	ssyncset.done $0x0  }
0x93: {  	[sflag:s19] =	ssyncadd.s32 $0xFFFFC000  }
0x94: {  	[tilespmem:s25], [sflag:$0x3] =	stream.indirect.gather [hbm4b:s7+s24], $0x80, s17, s24, $0xb8;
	[tilespmem:$0x18C00] =	vst v63  }
0x95: {  	_ =	swait.ge [sflag:s19], $0x4000  }
0x96: {  	[sflag:s19] =	ssyncset.done $0x0  }
0x97: {  	[sflag:s19] =	ssyncadd.s32 $0xFFFFC000  }
0x98: {  	[spmem:s4] =	stream.indirect.scatter.add.f32 [tilespmem:s25], [sflag:$0x3], $0x80, s8, s24, $0xb8;
	[tilespmem:$0x18C00] =	vst v63  }
0x99: {  	_ =	swait.ge [sflag:s19], $0x4000  }
0x9a: {  	[sflag:s19] =	ssyncset.done $0x0  }
0x9b: {  	[sflag:s19] =	ssyncadd.s32 $0xFFFFC000  }
0x9c: {  	[tilespmem:s25], [sflag:$0x3] =	stream.indirect.gather [hbm4b:s7+s24], $0x80, s18, s24, $0xb8;
	[tilespmem:$0x18C00] =	vst v63  }
0x9d: {  	_ =	swait.ge [sflag:s19], $0x4000  }
0x9e: {  	[sflag:s19] =	ssyncset.done $0x0  }
0x9f: {  	[sflag:s19] =	ssyncadd.s32 $0xFFFFC000  }
0xa0: {  	[spmem:s4] =	stream.indirect.scatter.add.f32 [tilespmem:s25], [sflag:$0x3], $0x80, s1, s24, $0xb8;
	[tilespmem:$0x18C00] =	vst v63  }
0xa1: {  	_ =	swait.ge [sflag:s19], $0x4000  }
0xa2: {  	[sflag:s19] =	ssyncset.done $0x0  }
0xa3: {  	[sflag:s19] =	ssyncadd.s32 $0xFFFFC000  }
0xa4: {  	[tilespmem:s25], [sflag:$0x3] =	stream.indirect.gather [hbm4b:s7+s24], $0x80, s2, s24, $0xb8;
	[tilespmem:$0x18C00] =	vst v63  }
0xa5: {  	_ =	swait.ge [sflag:s19], $0x4000  }
0xa6: {  	[sflag:s19] =	ssyncset.done $0x0  }
0xa7: {  	[sflag:s19] =	ssyncadd.s32 $0xFFFFC000  }
0xa8: {  	[spmem:s4] =	stream.indirect.scatter.add.f32 [tilespmem:s25], [sflag:$0x3], $0x80, s26, s24, $0xb8;
	[tilespmem:$0x18C00] =	vst v63  }
0xa9: {  	_ =	swait.ge [sflag:s19], $0x4000  }
0xaa: {  	[sflag:s19] =	ssyncset.done $0x0  }
0xab: {  	[sflag:s19] =	ssyncadd.s32 $0xFFFFC000  }
0xac: {  	[tilespmem:s25], [sflag:$0x3] =	stream.indirect.gather [hbm4b:s7+s24], $0x80, s28, s24, $0xb8;
	[tilespmem:$0x18C00] =	vst v63  }
0xad: {  	_ =	swait.ge [sflag:s19], $0x4000  }
0xae: {  	[sflag:s19] =	ssyncset.done $0x0  }
0xaf: {  	[sflag:s19] =	ssyncadd.s32 $0xFFFFC000  }
0xb0: {  	[spmem:s4] =	stream.indirect.scatter.add.f32 [tilespmem:s25], [sflag:$0x3], $0x80, s20, s24, $0xb8;
	[tilespmem:$0x18C00] =	vst v63  }
0xb1: {  	_ =	swait.ge [sflag:s19], $0x4000  }
0xb2: {  	[sflag:s19] =	ssyncset.done $0x0  }
0xb3: {  	[sflag:s19] =	ssyncadd.s32 $0xFFFFC000  }
0xb4: {  	[tilespmem:s25], [sflag:$0x3] =	stream.indirect.gather [hbm4b:s7+s24], $0x80, s29, s24, $0xb8;
	[tilespmem:$0x18C00] =	vst v63  }
0xb5: {  	_ =	swait.ge [sflag:s19], $0x4000  }
0xb6: {  	[sflag:s19] =	ssyncset.done $0x0  }
0xb7: {  	[sflag:s19] =	ssyncadd.s32 $0xFFFFC000  }
0xb8: {  	[spmem:s4] =	stream.indirect.scatter.add.f32 [tilespmem:s25], [sflag:$0x3], $0x80, s30, s24, $0xb8;
	[tilespmem:$0x18C00] =	vst v63  }
0xb9: {  	_ =	swait.ge [sflag:s19], $0x4000  }
0xba: {  	[sflag:s19] =	ssyncset.done $0x0  }
0xbb: {  	[sflag:s19] =	ssyncadd.s32 $0xFFFFC000  }
0xbc: {  	[tilespmem:s25], [sflag:$0x3] =	stream.indirect.gather [hbm4b:s7+s24], $0x80, s31, s24, $0xb8;
	[tilespmem:$0x18C00] =	vst v63  }
0xbd: {  	_ =	swait.ge [sflag:s19], $0x4000  }
0xbe: {  	[sflag:s19] =	ssyncset.done $0x0  }
0xbf: {  	[sflag:s19] =	ssyncadd.s32 $0xFFFFC000  }
0xc0: {  	[spmem:s4] =	stream.indirect.scatter.add.f32 [tilespmem:s25], [sflag:$0x3], $0x80, s0, s24, $0xb8;
	[tilespmem:$0x18C00] =	vst v63  }
0xc1: {  	_ =	swait.ge [sflag:s19], $0x4000  }
0xc2: {  	[sflag:s19] =	ssyncset.done $0x0  }
0xc3: {  	[sflag:s19] =	ssyncadd.s32 $0xFFFFC000  }
0xc4: {  	[tilespmem:s25], [sflag:$0x3] =	stream.indirect.gather [hbm4b:s7+s24], $0x80, s5, s24, $0xb8;
	[tilespmem:$0x18C00] =	vst v63  }
0xc5: {  	_ =	swait.ge [sflag:s19], $0x4000  }
0xc6: {  	[sflag:s19] =	ssyncset.done $0x0  }
.Ltmp2:
0xc7: {  	[sflag:s19] =	ssyncadd.s32 $0xFFFFC000;
	(pc) =	sbr.rel @p0 .LBB2_4-.Ltmp2, $4  }
0xc8: {  	[spmem:s4] =	stream.indirect.scatter.add.f32 [tilespmem:s25], [sflag:$0x3], $0x80, s3, s24, $0xb8;
	[tilespmem:$0x18C00] =	vst v63  }
0xc9: {  	_ =	swait.ge [sflag:s19], $0x4000  }
0xca: {  	[sflag:s19] =	ssyncset.done $0x0  }
0xcb: {  	[sflag:s19] =	ssyncadd.s32 $0xFFFFC000  }
.Ltmp3:
0xcc: {  	(pc) =	sbr.rel .LBB2_2-.Ltmp3, $4  }
0xcd: {  	s11 =	sadd.s32 s10, s16  }
0xce: {  	[tilespmem:s21], [sflag:$0x2] =	stream.linear.gather [hbm4b:s11+s6], $0x400, $0x38;
	[tilespmem:$0x18C00] =	vst v63  }
0xcf: {  	s13 =	sadd.s32 s10, s15;
	s10 =	sadd.s32 $0x100, s10;
	s9 =	sadd.s32 $0x800, s9  }
0xd0: {  	[tilespmem:s22], [sflag:$0x2] =	stream.linear.gather [hbm4b:s13+s6], $0x400, $0x38;
	[tilespmem:$0x18C00] =	vst v63  }
.LBB2_5:
0xd1: {  	_ =	sfence.sel $0x180000  }
0xd2: {  	[bflag:$0x0] =	sbarrier.arrive $0xFFFF  }
0xd3: {  	_ =	strace $0x90000047  }
0xd4: {  	s0 =	stileid.u32;
	[bflag:$0x2] =	sbarrier.arrive $0xFFFF  }
0xd5: {  	p0 =	sne.s32 s0, $0x0;
	s0 =	rddreg [dreg:$0x5]  }
0xd6: {  	s0 =	sadd.s32 @!p0 $0x100000, s0  }
0xd7: {  	[sflag:s0] =	ssyncadd.tile.s32 @!p0 $0x1;
	_ =	shalt  }
.Lfunc_end2:
_tile_overlayer_lowered:
.L_overlay_start_2:
0xd8: {  	(tag) =	ssettag $0x2  }
0xd9: {  	s0 =	rddreg [dreg:$0x0];
	s2 =	stileid.u32  }
0xda: {  	s1 =	rddreg [dreg:$0x1];
	p0 =	sne.s32 s2, $0x0  }
0xdb: {  	s3 =	rddreg [dreg:$0x2];
	[bflag:$0x3] =	sbarrier.arrive $0xFFFF;
	s2 =	simm.s32 @!p0 $0x1C03  }
0xdc: {  	[timem:s3], [sflag:s2] =	dma.local @!p0 [hbm:s0], s1  }
0xdd: {  	s0 =	simm.s32 @!p0 $0x3  }
0xde: {  	_ =	swait.ge @!p0 [sflag:s0], s1  }
0xdf: {  	s1 =	ssub.s32 @!p0 $0x0, s1;
	[sflag:s0] =	ssyncset.done @!p0 $0x0  }
0xe0: {  	[sflag:s0] =	ssyncadd.s32 @!p0 s1  }
0xe1: {  	[bflag:$0x3] =	sbarrier.arrive $0xFFFF  }
0xe2: {  	_ =	shalt  }

</sc_bundles>
